<compile_context>
chip_gen: v7x
topology: tpu7x:2x2x1
jax: 0.10.2.dev20260603
libtpu: 0.0.44.dev20260713+nightly
codegen_flags: <defaults>
</compile_context>

<pallas_src>
import functools

import jax
import jax.numpy as jnp
from jax import lax
from jax.experimental import pallas as pl
from jax.experimental.pallas import tpu as pltpu
from jax.experimental.pallas import tpu_sc as plsc

_N, _D, _E, _K, _F, _NSH, _C = 2048, 768, 64, 2, 1536, 2, 128
_FSH = _F * _NSH
_SLOTS = _E * _C
_SPAD = _SLOTS + _C
_DUMP = _SLOTS
_NW = 32
_TPW = _N // _NW


def _router_body(x_ref, wg_ref, topi_ref, dsta_ref, dstc_ref, wc_ref):
    xb = x_ref[...]
    logits = jnp.dot(xb, wg_ref[...], preferred_element_type=jnp.float32)
    eidx = lax.broadcasted_iota(jnp.int32, (_N, _E), 1)

    m1 = jnp.max(logits, axis=1, keepdims=True)
    i1 = jnp.min(jnp.where(logits == m1, eidx, _E), axis=1, keepdims=True)
    l2 = jnp.where(eidx == i1, -jnp.inf, logits)
    m2 = jnp.max(l2, axis=1, keepdims=True)
    i2 = jnp.min(jnp.where(l2 == m2, eidx, _E), axis=1, keepdims=True)

    w1 = jax.nn.sigmoid(m1 - m2)
    w2 = jax.nn.sigmoid(m2 - m1)

    oh1 = (eidx == i1).astype(jnp.float32)
    oh2 = (eidx == i2).astype(jnp.float32)
    ohc = oh1 + oh2
    r_io = lax.broadcasted_iota(jnp.int32, (_N, _N), 0)
    c_io = lax.broadcasted_iota(jnp.int32, (_N, _N), 1)
    tril = (c_io < r_io).astype(jnp.float32)
    s = jnp.dot(tril, ohc, preferred_element_type=jnp.float32)

    p1 = jnp.sum(s * oh1, axis=1, keepdims=True).astype(jnp.int32)
    p2 = jnp.sum(s * oh2, axis=1, keepdims=True).astype(jnp.int32)

    v1 = p1 < _C
    v2 = p2 < _C
    base1 = i1 * _C
    base2 = i2 * _C
    dsta1 = jnp.where(v1, base1 + p1, _DUMP)
    dsta2 = jnp.where(v2, base2 + p2, _DUMP)
    dstc1 = base1 + jnp.where(v1, p1, 0)
    dstc2 = base2 + jnp.where(v2, p2, 0)

    topi_ref[...] = jnp.concatenate([i1, i2], axis=1)
    dsta_ref[...] = jnp.concatenate([dsta1, dsta2], axis=1)
    dstc_ref[...] = jnp.concatenate([dstc1, dstc2], axis=1)
    wc_ref[...] = jnp.concatenate(
        [w1 * v1.astype(jnp.float32), w2 * v2.astype(jnp.float32)], axis=1)


def _router(x, wg):
    return pl.pallas_call(
        _router_body,
        out_shape=[
            jax.ShapeDtypeStruct((_N, _K), jnp.int32),
            jax.ShapeDtypeStruct((_N, _K), jnp.int32),
            jax.ShapeDtypeStruct((_N, _K), jnp.int32),
            jax.ShapeDtypeStruct((_N, _K), jnp.float32),
        ],
        compiler_params=pltpu.CompilerParams(
            vmem_limit_bytes=100 * 1024 * 1024),
    )(x, wg)


@functools.lru_cache(maxsize=None)
def _sc_mesh():
    return plsc.VectorSubcoreMesh(core_axis_name="c", subcore_axis_name="s")


@functools.lru_cache(maxsize=None)
def _sc_scatter():
    @functools.partial(
        pl.kernel,
        out_type=jax.ShapeDtypeStruct((_SPAD, _D), jnp.float32),
        mesh=_sc_mesh(),
        scratch_types=[
            pltpu.VMEM((_TPW,), jnp.int32),
            pltpu.VMEM((_TPW,), jnp.int32),
            pltpu.VMEM((_TPW, _D), jnp.float32),
            pltpu.SemaphoreType.DMA,
        ],
    )
    def scatter_kernel(x_hbm, d1_hbm, d2_hbm, buf_hbm, i1_v, i2_v, xv, sem):
        wid = lax.axis_index("s") * 2 + lax.axis_index("c")
        pltpu.sync_copy(x_hbm.at[pl.ds(wid * _TPW, _TPW)], xv)
        pltpu.sync_copy(d1_hbm.at[wid], i1_v)
        pltpu.sync_copy(d2_hbm.at[wid], i2_v)
        c1 = pltpu.async_copy(xv, buf_hbm.at[i1_v], sem)
        c2 = pltpu.async_copy(xv, buf_hbm.at[i2_v], sem)
        c1.wait()
        c2.wait()

    return scatter_kernel


def _ffn_body(b_ref, w1_ref, w3_ref, w2_ref, eo_ref):
    xb = b_ref[...]
    g = jnp.dot(xb, w1_ref[...], preferred_element_type=jnp.float32)
    u = jnp.dot(xb, w3_ref[...], preferred_element_type=jnp.float32)
    act = g * jax.nn.sigmoid(g) * u
    eo_ref[...] = jnp.dot(act, w2_ref[...], preferred_element_type=jnp.float32)


def _ffn(buf, w1, w3, w2):
    return pl.pallas_call(
        _ffn_body,
        grid=(_E,),
        in_specs=[
            pl.BlockSpec((_C, _D), lambda e: (e, 0)),
            pl.BlockSpec((None, _D, _F), lambda e: (e, 0, 0)),
            pl.BlockSpec((None, _D, _F), lambda e: (e, 0, 0)),
            pl.BlockSpec((None, _F, _D), lambda e: (e, 0, 0)),
        ],
        out_specs=pl.BlockSpec((_C, _D), lambda e: (e, 0)),
        out_shape=jax.ShapeDtypeStruct((_SLOTS, _D), jnp.float32),
        compiler_params=pltpu.CompilerParams(
            dimension_semantics=("arbitrary",),
            vmem_limit_bytes=100 * 1024 * 1024),
    )(buf, w1, w3, w2)


@functools.lru_cache(maxsize=None)
def _sc_gather():
    @functools.partial(
        pl.kernel,
        out_type=[
            jax.ShapeDtypeStruct((_N, _D), jnp.float32),
            jax.ShapeDtypeStruct((_N, _D), jnp.float32),
        ],
        mesh=_sc_mesh(),
        scratch_types=[
            pltpu.VMEM((_TPW,), jnp.int32),
            pltpu.VMEM((_TPW,), jnp.int32),
            pltpu.VMEM((_TPW, _D), jnp.float32),
            pltpu.VMEM((_TPW, _D), jnp.float32),
            pltpu.SemaphoreType.DMA,
        ],
    )
    def gather_kernel(eo_hbm, c1_hbm, c2_hbm, g1_hbm, g2_hbm, i1_v, i2_v,
                      r1, r2, sem):
        wid = lax.axis_index("s") * 2 + lax.axis_index("c")
        base = wid * _TPW
        pltpu.sync_copy(c1_hbm.at[wid], i1_v)
        pltpu.sync_copy(c2_hbm.at[wid], i2_v)
        c1 = pltpu.async_copy(eo_hbm.at[i1_v], r1, sem)
        c2 = pltpu.async_copy(eo_hbm.at[i2_v], r2, sem)
        c1.wait()
        pltpu.sync_copy(r1, g1_hbm.at[pl.ds(base, _TPW)])
        c2.wait()
        pltpu.sync_copy(r2, g2_hbm.at[pl.ds(base, _TPW)])

    return gather_kernel


_TB = 256


def _combine_body(x_ref, ws1_ref, ws3_ref, ws2_ref, g1_ref, g2_ref, wc_ref,
                  o_ref):
    xb = x_ref[...]
    a = jnp.dot(xb, ws1_ref[...], preferred_element_type=jnp.float32)
    b = jnp.dot(xb, ws3_ref[...], preferred_element_type=jnp.float32)
    h = a * jax.nn.sigmoid(a) * b
    sh = jnp.dot(h, ws2_ref[...], preferred_element_type=jnp.float32)
    w1 = wc_ref[:, 0:1]
    w2 = wc_ref[:, 1:2]
    o_ref[...] = sh + g1_ref[...] * w1 + g2_ref[...] * w2


def _combine(x, ws1, ws3, ws2, g1, g2, wc):
    nblk = _N // _TB
    return pl.pallas_call(
        _combine_body,
        grid=(nblk,),
        in_specs=[
            pl.BlockSpec((_TB, _D), lambda i: (i, 0)),
            pl.BlockSpec((_D, _FSH), lambda i: (0, 0)),
            pl.BlockSpec((_D, _FSH), lambda i: (0, 0)),
            pl.BlockSpec((_FSH, _D), lambda i: (0, 0)),
            pl.BlockSpec((_TB, _D), lambda i: (i, 0)),
            pl.BlockSpec((_TB, _D), lambda i: (i, 0)),
            pl.BlockSpec((_TB, _K), lambda i: (i, 0)),
        ],
        out_specs=pl.BlockSpec((_TB, _D), lambda i: (i, 0)),
        out_shape=jax.ShapeDtypeStruct((_N, _D), jnp.float32),
        compiler_params=pltpu.CompilerParams(
            dimension_semantics=("arbitrary",),
            vmem_limit_bytes=100 * 1024 * 1024),
    )(x, ws1, ws3, ws2, g1, g2, wc)


def kernel(x, Wg, W1, W3, W2, Ws1, Ws3, Ws2):
    topi, dsta, dstc, wc = _router(x, Wg)

    dsta_t = dsta.T.reshape(_K, _NW, _TPW)
    dstc_t = dstc.T.reshape(_K, _NW, _TPW)

    buf = _sc_scatter()(x, dsta_t[0], dsta_t[1])
    eo = _ffn(buf, W1, W3, W2)
    g1, g2 = _sc_gather()(eo, dstc_t[0], dstc_t[1])
    out = _combine(x, Ws1, Ws3, Ws2, g1, g2, wc)
    return out, topi

# --- scband reference (transcript-rebuilt; emitter-appended) ---
"""Pipeline reference for scband-ssmo-e-mvms-retrieval-8495445311576 (READ-ONLY COPY).

The authoritative reference and input builder live on the scoring server;
editing this copy changes nothing except your own understanding.
"""

import jax, jax.numpy as jnp
import numpy as np

N, D, E, K, F, NSH, C = 2048, 768, 64, 2, 1536, 2, 128

def setup_inputs(seed: int = 0) -> dict:
    key = jax.random.key(seed)
    ks = jax.random.split(key, 8)
    x = jax.random.normal(ks[0], (N, D), dtype=jnp.float32)
    Wg = jax.random.normal(ks[1], (D, E), dtype=jnp.float32) * 0.02
    W1 = jax.random.normal(ks[2], (E, D, F), dtype=jnp.float32) * 0.02
    W3 = jax.random.normal(ks[3], (E, D, F), dtype=jnp.float32) * 0.02
    W2 = jax.random.normal(ks[4], (E, F, D), dtype=jnp.float32) * 0.02
    Ws1 = jax.random.normal(ks[5], (D, F * NSH), dtype=jnp.float32) * 0.02
    Ws3 = jax.random.normal(ks[6], (D, F * NSH), dtype=jnp.float32) * 0.02
    Ws2 = jax.random.normal(ks[7], (F * NSH, D), dtype=jnp.float32) * 0.02
    return {"x": x, "Wg": Wg, "W1": W1, "W3": W3, "W2": W2, "Ws1": Ws1, "Ws3": Ws3, "Ws2": Ws2}

def reference(x, Wg, W1, W3, W2, Ws1, Ws3, Ws2):
    # DeepseekMoE: softmax gate -> top-k routing (normalized) -> SiLU-gated expert MLPs
    # + n_shared_experts dense shared expert (intermediate = moe_intermediate_size * n_shared).
    logits = x @ Wg
    probs = jax.nn.softmax(logits, axis=-1)
    topv, topi = jax.lax.top_k(probs, K)                      # [N, K]
    topv = topv / (jnp.sum(topv, axis=-1, keepdims=True) + 1e-20)  # norm_topk_prob
    flat_e = topi.reshape(-1)                                  # [N*K] expert id per assignment
    flat_w = topv.reshape(-1)                                  # [N*K] combine weight
    tok = jnp.repeat(jnp.arange(N), K)                         # [N*K] source token id
    # position of each assignment within its expert (capacity C >> mean load -> dropless in practice)
    oh = jax.nn.one_hot(flat_e, E, dtype=jnp.int32)
    pos = jnp.sum(jnp.cumsum(oh, axis=0) * oh, axis=-1) - 1    # [N*K]
    valid = pos < C
    pos_safe = jnp.where(valid, pos, 0)
    # scatter tokens into per-expert buffers [E, C, D]; OOB positions dropped
    buf = jnp.zeros((E, C, D), dtype=x.dtype).at[flat_e, pos].add(x[tok], mode='drop')
    # expert FFN (gate/up/down, SiLU gated)
    g = jnp.einsum('ecd,edf->ecf', buf, W1)
    u = jnp.einsum('ecd,edf->ecf', buf, W3)
    act = jax.nn.silu(g) * u
    eo = jnp.einsum('ecf,efd->ecd', act, W2)                   # [E, C, D]
    # gather back and combine with routing weights
    gathered = eo[flat_e, pos_safe] * valid[:, None].astype(x.dtype)
    y = jnp.zeros((N, D), dtype=x.dtype).at[tok].add(gathered * flat_w[:, None])
    # shared experts applied densely to every token
    sh = (jax.nn.silu(x @ Ws1) * (x @ Ws3)) @ Ws2
    out = y + sh
    return out, topi

if False:  # reference __main__ guard neutralized (emitter)
    inp = setup_inputs()
    out, topi = reference(**inp)
    print(out.shape, topi.shape)

if __name__ == "__main__":
    import jax
    _d = setup_inputs()
    print(jax.jit(kernel)(*tuple(_d.values())))

</pallas_src>

<mosaic_0001>
#map = affine_map<(d0, d1) -> (0, 0)>
module attributes {stable_mosaic.version = 14 : i64} {
  func.func @scatter_kernel(%arg0: i32, %arg1: i32, %arg2: memref<2048x768xf32, #tpu.memory_space<hbm>>, %arg3: memref<32x64xi32, #tpu.memory_space<hbm>>, %arg4: memref<32x64xi32, #tpu.memory_space<hbm>>, %arg5: memref<8320x768xf32, #tpu.memory_space<hbm>>, %arg6: memref<64xi32, #tpu.memory_space<vmem>>, %arg7: memref<64xi32, #tpu.memory_space<vmem>>, %arg8: memref<64x768xf32, #tpu.memory_space<vmem>>, %arg9: memref<!tpu.dma_semaphore, #tpu.memory_space<semaphore_mem>>) attributes {dimension_semantics = [#tpu.dimension_semantics<core_parallel>, #tpu.dimension_semantics<subcore_parallel>], iteration_bounds = array<i64: 2, 16>, scalar_prefetch = 0 : i64, scratch_operands = 4 : i64, tpu.core_type = #tpu.core_type<sc_vector_subcore>, window_params = [{transform_indices = #map}, {transform_indices = #map}, {transform_indices = #map}, {transform_indices = #map}]} {
    %mul3A = arith.constant 2 : i32
    %mul3A_0 = arith.muli %arg1, %mul3A : i32
    %add3A = arith.addi %mul3A_0, %arg0 : i32
    %mul3A_1 = arith.constant 64 : i32
    %mul3A_2 = arith.muli %add3A, %mul3A_1 : i32
    "tpu.region"() ({
      %run_scoped3A = tpu.sem_alloc : memref<!tpu.dma_semaphore, #tpu.memory_space<semaphore_mem>>
      %dma_start3A_13 = arith.constant 0 : i32
      %dma_start3A_14 = tpu.memref_slice %arg2[%mul3A_2, %dma_start3A_13] : memref<2048x768xf32, #tpu.memory_space<hbm>> -> memref<64x768xf32, #tpu.memory_space<hbm>>
      %dma_start3A_15 = arith.constant 0 : i32
      %dma_start3A_16 = tpu.memref_slice %arg2[%mul3A_2, %dma_start3A_15] : memref<2048x768xf32, #tpu.memory_space<hbm>> -> memref<64x768xf32, #tpu.memory_space<hbm>>
      tpu.enqueue_dma source(%dma_start3A_16 : memref<64x768xf32, #tpu.memory_space<hbm>>) target(%arg8 : memref<64x768xf32, #tpu.memory_space<vmem>>) target_semaphore(%run_scoped3A : memref<!tpu.dma_semaphore, #tpu.memory_space<semaphore_mem>>)
      %dma_wait3A_17 = arith.constant 0 : i32
      %dma_wait3A_18 = tpu.memref_slice %arg2[%mul3A_2, %dma_wait3A_17] : memref<2048x768xf32, #tpu.memory_space<hbm>> -> memref<64x768xf32, #tpu.memory_space<hbm>>
      %dma_wait3A_19 = arith.constant 0 : i32
      %dma_wait3A_20 = tpu.memref_slice %arg2[%mul3A_2, %dma_wait3A_19] : memref<2048x768xf32, #tpu.memory_space<hbm>> -> memref<64x768xf32, #tpu.memory_space<hbm>>
      tpu.wait_dma2 semaphore(%run_scoped3A : memref<!tpu.dma_semaphore, #tpu.memory_space<semaphore_mem>>) src(%dma_wait3A_20 : memref<64x768xf32, #tpu.memory_space<hbm>>) dst(%arg8 : memref<64x768xf32, #tpu.memory_space<vmem>>)
      tpu.yield
    }) : () -> ()
    "tpu.region"() ({
      %run_scoped3A = tpu.sem_alloc : memref<!tpu.dma_semaphore, #tpu.memory_space<semaphore_mem>>
      %dma_start3A_13 = arith.constant 0 : i32
      %dma_start3A_14 = tpu.memref_slice %arg3[%add3A, %dma_start3A_13] : memref<32x64xi32, #tpu.memory_space<hbm>> -> memref<1x64xi32, #tpu.memory_space<hbm>>
      %dma_start3A_15 = tpu.memref_squeeze %dma_start3A_14 : memref<1x64xi32, #tpu.memory_space<hbm>> -> memref<64xi32, #tpu.memory_space<hbm>>
      %dma_start3A_16 = arith.constant 0 : i32
      %dma_start3A_17 = tpu.memref_slice %arg3[%add3A, %dma_start3A_16] : memref<32x64xi32, #tpu.memory_space<hbm>> -> memref<1x64xi32, #tpu.memory_space<hbm>>
      %dma_start3A_18 = tpu.memref_squeeze %dma_start3A_17 : memref<1x64xi32, #tpu.memory_space<hbm>> -> memref<64xi32, #tpu.memory_space<hbm>>
      tpu.enqueue_dma source(%dma_start3A_18 : memref<64xi32, #tpu.memory_space<hbm>>) target(%arg6 : memref<64xi32, #tpu.memory_space<vmem>>) target_semaphore(%run_scoped3A : memref<!tpu.dma_semaphore, #tpu.memory_space<semaphore_mem>>)
      %dma_wait3A_19 = arith.constant 0 : i32
      %dma_wait3A_20 = tpu.memref_slice %arg3[%add3A, %dma_wait3A_19] : memref<32x64xi32, #tpu.memory_space<hbm>> -> memref<1x64xi32, #tpu.memory_space<hbm>>
      %dma_wait3A_21 = tpu.memref_squeeze %dma_wait3A_20 : memref<1x64xi32, #tpu.memory_space<hbm>> -> memref<64xi32, #tpu.memory_space<hbm>>
      %dma_wait3A_22 = arith.constant 0 : i32
      %dma_wait3A_23 = tpu.memref_slice %arg3[%add3A, %dma_wait3A_22] : memref<32x64xi32, #tpu.memory_space<hbm>> -> memref<1x64xi32, #tpu.memory_space<hbm>>
      %dma_wait3A_24 = tpu.memref_squeeze %dma_wait3A_23 : memref<1x64xi32, #tpu.memory_space<hbm>> -> memref<64xi32, #tpu.memory_space<hbm>>
      tpu.wait_dma2 semaphore(%run_scoped3A : memref<!tpu.dma_semaphore, #tpu.memory_space<semaphore_mem>>) src(%dma_wait3A_24 : memref<64xi32, #tpu.memory_space<hbm>>) dst(%arg6 : memref<64xi32, #tpu.memory_space<vmem>>)
      tpu.yield
    }) : () -> ()
    "tpu.region"() ({
      %run_scoped3A = tpu.sem_alloc : memref<!tpu.dma_semaphore, #tpu.memory_space<semaphore_mem>>
      %dma_start3A_13 = arith.constant 0 : i32
      %dma_start3A_14 = tpu.memref_slice %arg4[%add3A, %dma_start3A_13] : memref<32x64xi32, #tpu.memory_space<hbm>> -> memref<1x64xi32, #tpu.memory_space<hbm>>
      %dma_start3A_15 = tpu.memref_squeeze %dma_start3A_14 : memref<1x64xi32, #tpu.memory_space<hbm>> -> memref<64xi32, #tpu.memory_space<hbm>>
      %dma_start3A_16 = arith.constant 0 : i32
      %dma_start3A_17 = tpu.memref_slice %arg4[%add3A, %dma_start3A_16] : memref<32x64xi32, #tpu.memory_space<hbm>> -> memref<1x64xi32, #tpu.memory_space<hbm>>
      %dma_start3A_18 = tpu.memref_squeeze %dma_start3A_17 : memref<1x64xi32, #tpu.memory_space<hbm>> -> memref<64xi32, #tpu.memory_space<hbm>>
      tpu.enqueue_dma source(%dma_start3A_18 : memref<64xi32, #tpu.memory_space<hbm>>) target(%arg7 : memref<64xi32, #tpu.memory_space<vmem>>) target_semaphore(%run_scoped3A : memref<!tpu.dma_semaphore, #tpu.memory_space<semaphore_mem>>)
      %dma_wait3A_19 = arith.constant 0 : i32
      %dma_wait3A_20 = tpu.memref_slice %arg4[%add3A, %dma_wait3A_19] : memref<32x64xi32, #tpu.memory_space<hbm>> -> memref<1x64xi32, #tpu.memory_space<hbm>>
      %dma_wait3A_21 = tpu.memref_squeeze %dma_wait3A_20 : memref<1x64xi32, #tpu.memory_space<hbm>> -> memref<64xi32, #tpu.memory_space<hbm>>
      %dma_wait3A_22 = arith.constant 0 : i32
      %dma_wait3A_23 = tpu.memref_slice %arg4[%add3A, %dma_wait3A_22] : memref<32x64xi32, #tpu.memory_space<hbm>> -> memref<1x64xi32, #tpu.memory_space<hbm>>
      %dma_wait3A_24 = tpu.memref_squeeze %dma_wait3A_23 : memref<1x64xi32, #tpu.memory_space<hbm>> -> memref<64xi32, #tpu.memory_space<hbm>>
      tpu.wait_dma2 semaphore(%run_scoped3A : memref<!tpu.dma_semaphore, #tpu.memory_space<semaphore_mem>>) src(%dma_wait3A_24 : memref<64xi32, #tpu.memory_space<hbm>>) dst(%arg7 : memref<64xi32, #tpu.memory_space<vmem>>)
      tpu.yield
    }) : () -> ()
    %dma_start3A = arith.constant 0 : i32
    %dma_start3A_3 = arith.constant 0 : i32
    %dma_start3A_4 = tpu.memref_slice %arg5[%dma_start3A, %dma_start3A_3] : memref<8320x768xf32, #tpu.memory_space<hbm>> -> memref<8320x768xf32, #tpu.memory_space<hbm>>
    tpu.enqueue_indirect_dma source(%arg8 : memref<64x768xf32, #tpu.memory_space<vmem>>) target(%dma_start3A_4 : memref<8320x768xf32, #tpu.memory_space<hbm>>) offsets(%arg6 : memref<64xi32, #tpu.memory_space<vmem>>) semaphore(%arg9 : memref<!tpu.dma_semaphore, #tpu.memory_space<semaphore_mem>>)
    %dma_start3A_5 = arith.constant 0 : i32
    %dma_start3A_6 = arith.constant 0 : i32
    %dma_start3A_7 = tpu.memref_slice %arg5[%dma_start3A_5, %dma_start3A_6] : memref<8320x768xf32, #tpu.memory_space<hbm>> -> memref<8320x768xf32, #tpu.memory_space<hbm>>
    tpu.enqueue_indirect_dma source(%arg8 : memref<64x768xf32, #tpu.memory_space<vmem>>) target(%dma_start3A_7 : memref<8320x768xf32, #tpu.memory_space<hbm>>) offsets(%arg7 : memref<64xi32, #tpu.memory_space<vmem>>) semaphore(%arg9 : memref<!tpu.dma_semaphore, #tpu.memory_space<semaphore_mem>>)
    %dma_wait3A = arith.constant 0 : i32
    %dma_wait3A_8 = arith.constant 0 : i32
    %dma_wait3A_9 = tpu.memref_slice %arg5[%dma_wait3A, %dma_wait3A_8] : memref<8320x768xf32, #tpu.memory_space<hbm>> -> memref<8320x768xf32, #tpu.memory_space<hbm>>
    tpu.wait_indirect_dma semaphore(%arg9 : memref<!tpu.dma_semaphore, #tpu.memory_space<semaphore_mem>>) src(%arg8 : memref<64x768xf32, #tpu.memory_space<vmem>>) dst(%dma_wait3A_9 : memref<8320x768xf32, #tpu.memory_space<hbm>>)
    %dma_wait3A_10 = arith.constant 0 : i32
    %dma_wait3A_11 = arith.constant 0 : i32
    %dma_wait3A_12 = tpu.memref_slice %arg5[%dma_wait3A_10, %dma_wait3A_11] : memref<8320x768xf32, #tpu.memory_space<hbm>> -> memref<8320x768xf32, #tpu.memory_space<hbm>>
    tpu.wait_indirect_dma semaphore(%arg9 : memref<!tpu.dma_semaphore, #tpu.memory_space<semaphore_mem>>) src(%arg8 : memref<64x768xf32, #tpu.memory_space<vmem>>) dst(%dma_wait3A_12 : memref<8320x768xf32, #tpu.memory_space<hbm>>)
    return
  }
}

#map = affine_map<(d0, d1) -> (0, 0)>
module attributes {stable_mosaic.version = 14 : i64} {
  func.func @gather_kernel(%arg0: i32, %arg1: i32, %arg2: memref<8192x768xf32, #tpu.memory_space<hbm>>, %arg3: memref<32x64xi32, #tpu.memory_space<hbm>>, %arg4: memref<32x64xi32, #tpu.memory_space<hbm>>, %arg5: memref<2048x768xf32, #tpu.memory_space<hbm>>, %arg6: memref<2048x768xf32, #tpu.memory_space<hbm>>, %arg7: memref<64xi32, #tpu.memory_space<vmem>>, %arg8: memref<64xi32, #tpu.memory_space<vmem>>, %arg9: memref<64x768xf32, #tpu.memory_space<vmem>>, %arg10: memref<64x768xf32, #tpu.memory_space<vmem>>, %arg11: memref<!tpu.dma_semaphore, #tpu.memory_space<semaphore_mem>>) attributes {dimension_semantics = [#tpu.dimension_semantics<core_parallel>, #tpu.dimension_semantics<subcore_parallel>], iteration_bounds = array<i64: 2, 16>, scalar_prefetch = 0 : i64, scratch_operands = 5 : i64, tpu.core_type = #tpu.core_type<sc_vector_subcore>, window_params = [{transform_indices = #map}, {transform_indices = #map}, {transform_indices = #map}, {transform_indices = #map}, {transform_indices = #map}]} {
    %mul3A = arith.constant 2 : i32
    %mul3A_0 = arith.muli %arg1, %mul3A : i32
    %add3A = arith.addi %mul3A_0, %arg0 : i32
    %mul3A_1 = arith.constant 64 : i32
    %mul3A_2 = arith.muli %add3A, %mul3A_1 : i32
    "tpu.region"() ({
      %run_scoped3A = tpu.sem_alloc : memref<!tpu.dma_semaphore, #tpu.memory_space<semaphore_mem>>
      %dma_start3A_13 = arith.constant 0 : i32
      %dma_start3A_14 = tpu.memref_slice %arg3[%add3A, %dma_start3A_13] : memref<32x64xi32, #tpu.memory_space<hbm>> -> memref<1x64xi32, #tpu.memory_space<hbm>>
      %dma_start3A_15 = tpu.memref_squeeze %dma_start3A_14 : memref<1x64xi32, #tpu.memory_space<hbm>> -> memref<64xi32, #tpu.memory_space<hbm>>
      %dma_start3A_16 = arith.constant 0 : i32
      %dma_start3A_17 = tpu.memref_slice %arg3[%add3A, %dma_start3A_16] : memref<32x64xi32, #tpu.memory_space<hbm>> -> memref<1x64xi32, #tpu.memory_space<hbm>>
      %dma_start3A_18 = tpu.memref_squeeze %dma_start3A_17 : memref<1x64xi32, #tpu.memory_space<hbm>> -> memref<64xi32, #tpu.memory_space<hbm>>
      tpu.enqueue_dma source(%dma_start3A_18 : memref<64xi32, #tpu.memory_space<hbm>>) target(%arg7 : memref<64xi32, #tpu.memory_space<vmem>>) target_semaphore(%run_scoped3A : memref<!tpu.dma_semaphore, #tpu.memory_space<semaphore_mem>>)
      %dma_wait3A_19 = arith.constant 0 : i32
      %dma_wait3A_20 = tpu.memref_slice %arg3[%add3A, %dma_wait3A_19] : memref<32x64xi32, #tpu.memory_space<hbm>> -> memref<1x64xi32, #tpu.memory_space<hbm>>
      %dma_wait3A_21 = tpu.memref_squeeze %dma_wait3A_20 : memref<1x64xi32, #tpu.memory_space<hbm>> -> memref<64xi32, #tpu.memory_space<hbm>>
      %dma_wait3A_22 = arith.constant 0 : i32
      %dma_wait3A_23 = tpu.memref_slice %arg3[%add3A, %dma_wait3A_22] : memref<32x64xi32, #tpu.memory_space<hbm>> -> memref<1x64xi32, #tpu.memory_space<hbm>>
      %dma_wait3A_24 = tpu.memref_squeeze %dma_wait3A_23 : memref<1x64xi32, #tpu.memory_space<hbm>> -> memref<64xi32, #tpu.memory_space<hbm>>
      tpu.wait_dma2 semaphore(%run_scoped3A : memref<!tpu.dma_semaphore, #tpu.memory_space<semaphore_mem>>) src(%dma_wait3A_24 : memref<64xi32, #tpu.memory_space<hbm>>) dst(%arg7 : memref<64xi32, #tpu.memory_space<vmem>>)
      tpu.yield
    }) : () -> ()
    "tpu.region"() ({
      %run_scoped3A = tpu.sem_alloc : memref<!tpu.dma_semaphore, #tpu.memory_space<semaphore_mem>>
      %dma_start3A_13 = arith.constant 0 : i32
      %dma_start3A_14 = tpu.memref_slice %arg4[%add3A, %dma_start3A_13] : memref<32x64xi32, #tpu.memory_space<hbm>> -> memref<1x64xi32, #tpu.memory_space<hbm>>
      %dma_start3A_15 = tpu.memref_squeeze %dma_start3A_14 : memref<1x64xi32, #tpu.memory_space<hbm>> -> memref<64xi32, #tpu.memory_space<hbm>>
      %dma_start3A_16 = arith.constant 0 : i32
      %dma_start3A_17 = tpu.memref_slice %arg4[%add3A, %dma_start3A_16] : memref<32x64xi32, #tpu.memory_space<hbm>> -> memref<1x64xi32, #tpu.memory_space<hbm>>
      %dma_start3A_18 = tpu.memref_squeeze %dma_start3A_17 : memref<1x64xi32, #tpu.memory_space<hbm>> -> memref<64xi32, #tpu.memory_space<hbm>>
      tpu.enqueue_dma source(%dma_start3A_18 : memref<64xi32, #tpu.memory_space<hbm>>) target(%arg8 : memref<64xi32, #tpu.memory_space<vmem>>) target_semaphore(%run_scoped3A : memref<!tpu.dma_semaphore, #tpu.memory_space<semaphore_mem>>)
      %dma_wait3A_19 = arith.constant 0 : i32
      %dma_wait3A_20 = tpu.memref_slice %arg4[%add3A, %dma_wait3A_19] : memref<32x64xi32, #tpu.memory_space<hbm>> -> memref<1x64xi32, #tpu.memory_space<hbm>>
      %dma_wait3A_21 = tpu.memref_squeeze %dma_wait3A_20 : memref<1x64xi32, #tpu.memory_space<hbm>> -> memref<64xi32, #tpu.memory_space<hbm>>
      %dma_wait3A_22 = arith.constant 0 : i32
      %dma_wait3A_23 = tpu.memref_slice %arg4[%add3A, %dma_wait3A_22] : memref<32x64xi32, #tpu.memory_space<hbm>> -> memref<1x64xi32, #tpu.memory_space<hbm>>
      %dma_wait3A_24 = tpu.memref_squeeze %dma_wait3A_23 : memref<1x64xi32, #tpu.memory_space<hbm>> -> memref<64xi32, #tpu.memory_space<hbm>>
      tpu.wait_dma2 semaphore(%run_scoped3A : memref<!tpu.dma_semaphore, #tpu.memory_space<semaphore_mem>>) src(%dma_wait3A_24 : memref<64xi32, #tpu.memory_space<hbm>>) dst(%arg8 : memref<64xi32, #tpu.memory_space<vmem>>)
      tpu.yield
    }) : () -> ()
    %dma_start3A = arith.constant 0 : i32
    %dma_start3A_3 = arith.constant 0 : i32
    %dma_start3A_4 = tpu.memref_slice %arg2[%dma_start3A, %dma_start3A_3] : memref<8192x768xf32, #tpu.memory_space<hbm>> -> memref<8192x768xf32, #tpu.memory_space<hbm>>
    tpu.enqueue_indirect_dma source(%dma_start3A_4 : memref<8192x768xf32, #tpu.memory_space<hbm>>) target(%arg9 : memref<64x768xf32, #tpu.memory_space<vmem>>) offsets(%arg7 : memref<64xi32, #tpu.memory_space<vmem>>) semaphore(%arg11 : memref<!tpu.dma_semaphore, #tpu.memory_space<semaphore_mem>>)
    %dma_start3A_5 = arith.constant 0 : i32
    %dma_start3A_6 = arith.constant 0 : i32
    %dma_start3A_7 = tpu.memref_slice %arg2[%dma_start3A_5, %dma_start3A_6] : memref<8192x768xf32, #tpu.memory_space<hbm>> -> memref<8192x768xf32, #tpu.memory_space<hbm>>
    tpu.enqueue_indirect_dma source(%dma_start3A_7 : memref<8192x768xf32, #tpu.memory_space<hbm>>) target(%arg10 : memref<64x768xf32, #tpu.memory_space<vmem>>) offsets(%arg8 : memref<64xi32, #tpu.memory_space<vmem>>) semaphore(%arg11 : memref<!tpu.dma_semaphore, #tpu.memory_space<semaphore_mem>>)
    %dma_wait3A = arith.constant 0 : i32
    %dma_wait3A_8 = arith.constant 0 : i32
    %dma_wait3A_9 = tpu.memref_slice %arg2[%dma_wait3A, %dma_wait3A_8] : memref<8192x768xf32, #tpu.memory_space<hbm>> -> memref<8192x768xf32, #tpu.memory_space<hbm>>
    tpu.wait_indirect_dma semaphore(%arg11 : memref<!tpu.dma_semaphore, #tpu.memory_space<semaphore_mem>>) src(%dma_wait3A_9 : memref<8192x768xf32, #tpu.memory_space<hbm>>) dst(%arg9 : memref<64x768xf32, #tpu.memory_space<vmem>>)
    "tpu.region"() ({
      %run_scoped3A = tpu.sem_alloc : memref<!tpu.dma_semaphore, #tpu.memory_space<semaphore_mem>>
      %dma_start3A_13 = arith.constant 0 : i32
      %dma_start3A_14 = tpu.memref_slice %arg5[%mul3A_2, %dma_start3A_13] : memref<2048x768xf32, #tpu.memory_space<hbm>> -> memref<64x768xf32, #tpu.memory_space<hbm>>
      %dma_start3A_15 = arith.constant 0 : i32
      %dma_start3A_16 = tpu.memref_slice %arg5[%mul3A_2, %dma_start3A_15] : memref<2048x768xf32, #tpu.memory_space<hbm>> -> memref<64x768xf32, #tpu.memory_space<hbm>>
      tpu.enqueue_dma source(%arg9 : memref<64x768xf32, #tpu.memory_space<vmem>>) target(%dma_start3A_16 : memref<64x768xf32, #tpu.memory_space<hbm>>) target_semaphore(%run_scoped3A : memref<!tpu.dma_semaphore, #tpu.memory_space<semaphore_mem>>)
      %dma_wait3A_17 = arith.constant 0 : i32
      %dma_wait3A_18 = tpu.memref_slice %arg5[%mul3A_2, %dma_wait3A_17] : memref<2048x768xf32, #tpu.memory_space<hbm>> -> memref<64x768xf32, #tpu.memory_space<hbm>>
      %dma_wait3A_19 = arith.constant 0 : i32
      %dma_wait3A_20 = tpu.memref_slice %arg5[%mul3A_2, %dma_wait3A_19] : memref<2048x768xf32, #tpu.memory_space<hbm>> -> memref<64x768xf32, #tpu.memory_space<hbm>>
      tpu.wait_dma2 semaphore(%run_scoped3A : memref<!tpu.dma_semaphore, #tpu.memory_space<semaphore_mem>>) src(%arg9 : memref<64x768xf32, #tpu.memory_space<vmem>>) dst(%dma_wait3A_20 : memref<64x768xf32, #tpu.memory_space<hbm>>)
      tpu.yield
    }) : () -> ()
    %dma_wait3A_10 = arith.constant 0 : i32
    %dma_wait3A_11 = arith.constant 0 : i32
    %dma_wait3A_12 = tpu.memref_slice %arg2[%dma_wait3A_10, %dma_wait3A_11] : memref<8192x768xf32, #tpu.memory_space<hbm>> -> memref<8192x768xf32, #tpu.memory_space<hbm>>
    tpu.wait_indirect_dma semaphore(%arg11 : memref<!tpu.dma_semaphore, #tpu.memory_space<semaphore_mem>>) src(%dma_wait3A_12 : memref<8192x768xf32, #tpu.memory_space<hbm>>) dst(%arg10 : memref<64x768xf32, #tpu.memory_space<vmem>>)
    "tpu.region"() ({
      %run_scoped3A = tpu.sem_alloc : memref<!tpu.dma_semaphore, #tpu.memory_space<semaphore_mem>>
      %dma_start3A_13 = arith.constant 0 : i32
      %dma_start3A_14 = tpu.memref_slice %arg6[%mul3A_2, %dma_start3A_13] : memref<2048x768xf32, #tpu.memory_space<hbm>> -> memref<64x768xf32, #tpu.memory_space<hbm>>
      %dma_start3A_15 = arith.constant 0 : i32
      %dma_start3A_16 = tpu.memref_slice %arg6[%mul3A_2, %dma_start3A_15] : memref<2048x768xf32, #tpu.memory_space<hbm>> -> memref<64x768xf32, #tpu.memory_space<hbm>>
      tpu.enqueue_dma source(%arg10 : memref<64x768xf32, #tpu.memory_space<vmem>>) target(%dma_start3A_16 : memref<64x768xf32, #tpu.memory_space<hbm>>) target_semaphore(%run_scoped3A : memref<!tpu.dma_semaphore, #tpu.memory_space<semaphore_mem>>)
      %dma_wait3A_17 = arith.constant 0 : i32
      %dma_wait3A_18 = tpu.memref_slice %arg6[%mul3A_2, %dma_wait3A_17] : memref<2048x768xf32, #tpu.memory_space<hbm>> -> memref<64x768xf32, #tpu.memory_space<hbm>>
      %dma_wait3A_19 = arith.constant 0 : i32
      %dma_wait3A_20 = tpu.memref_slice %arg6[%mul3A_2, %dma_wait3A_19] : memref<2048x768xf32, #tpu.memory_space<hbm>> -> memref<64x768xf32, #tpu.memory_space<hbm>>
      tpu.wait_dma2 semaphore(%run_scoped3A : memref<!tpu.dma_semaphore, #tpu.memory_space<semaphore_mem>>) src(%arg10 : memref<64x768xf32, #tpu.memory_space<vmem>>) dst(%dma_wait3A_20 : memref<64x768xf32, #tpu.memory_space<hbm>>)
      tpu.yield
    }) : () -> ()
    return
  }
}

module attributes {stable_mosaic.version = 14 : i64} {
  func.func @_router_body(%arg0: memref<2048x768xf32, #tpu.memory_space<vmem>>, %arg1: memref<768x64xf32, #tpu.memory_space<vmem>>, %arg2: memref<2048x2xi32, #tpu.memory_space<vmem>>, %arg3: memref<2048x2xi32, #tpu.memory_space<vmem>>, %arg4: memref<2048x2xi32, #tpu.memory_space<vmem>>, %arg5: memref<2048x2xf32, #tpu.memory_space<vmem>>) attributes {dimension_semantics = [], scalar_prefetch = 0 : i64, scratch_operands = 0 : i64, tpu.core_type = #tpu.core_type<tc>} {
    %get3A = arith.constant 0 : index
    %get3A_0 = arith.constant 0 : index
    %get3A_1 = vector.load %arg0[%get3A, %get3A_0] : memref<2048x768xf32, #tpu.memory_space<vmem>>, vector<2048x768xf32>
    %get3A_2 = arith.constant 0 : index
    %get3A_3 = arith.constant 0 : index
    %get3A_4 = vector.load %arg1[%get3A_2, %get3A_3] : memref<768x64xf32, #tpu.memory_space<vmem>>, vector<768x64xf32>
    %dot_general3A = arith.constant dense<0.000000e+00> : vector<2048x64xf32>
    %dot_general3A_5 = tpu.matmul %get3A_1, %get3A_4, %dot_general3A {dimension_numbers = #tpu.dot_dimension_numbers<[1], [0], [0], [1], [0, 0, 1, 1], [], []>, transpose_lhs_hint = false} : vector<2048x768xf32>, vector<768x64xf32>, vector<2048x64xf32> -> vector<2048x64xf32>
    %iota3A = tpu.iota {dimensions = array<i32: 1>} : vector<2048x64xi32>
    %reduce_max3A = arith.constant dense<0xFF800000> : vector<2048xf32>
    %reduce_max3A_6 = vector.multi_reduction <maximumf>, %dot_general3A_5, %reduce_max3A [1] : vector<2048x64xf32> to vector<2048xf32>
    %broadcast_in_dim3A = vector.shape_cast %reduce_max3A_6 : vector<2048xf32> to vector<2048x1xf32>
    %eq3A = vector.broadcast %broadcast_in_dim3A : vector<2048x1xf32> to vector<2048x64xf32>
    %eq3A_7 = arith.cmpf oeq, %dot_general3A_5, %eq3A : vector<2048x64xf32>
    %jit3A = arith.constant 64 : i32
    %broadcast_in_dim3A_8 = vector.broadcast %jit3A : i32 to vector<2048x64xi32>
    %select_n3A = arith.select %eq3A_7, %iota3A, %broadcast_in_dim3A_8 : vector<2048x64xi1>, vector<2048x64xi32>
    %reduce_min3A = arith.constant dense<2147483647> : vector<2048xi32>
    %reduce_min3A_9 = vector.multi_reduction <minsi>, %select_n3A, %reduce_min3A [1] : vector<2048x64xi32> to vector<2048xi32>
    %broadcast_in_dim3A_10 = vector.shape_cast %reduce_min3A_9 : vector<2048xi32> to vector<2048x1xi32>
    %eq3A_11 = vector.broadcast %broadcast_in_dim3A_10 : vector<2048x1xi32> to vector<2048x64xi32>
    %eq3A_12 = arith.cmpi eq, %iota3A, %eq3A_11 : vector<2048x64xi32>
    %jit3A_13 = arith.constant 0xFF800000 : f32
    %broadcast_in_dim3A_14 = vector.broadcast %jit3A_13 : f32 to vector<2048x64xf32>
    %select_n3A_15 = arith.select %eq3A_12, %broadcast_in_dim3A_14, %dot_general3A_5 : vector<2048x64xi1>, vector<2048x64xf32>
    %reduce_max3A_16 = arith.constant dense<0xFF800000> : vector<2048xf32>
    %reduce_max3A_17 = vector.multi_reduction <maximumf>, %select_n3A_15, %reduce_max3A_16 [1] : vector<2048x64xf32> to vector<2048xf32>
    %broadcast_in_dim3A_18 = vector.shape_cast %reduce_max3A_17 : vector<2048xf32> to vector<2048x1xf32>
    %eq3A_19 = vector.broadcast %broadcast_in_dim3A_18 : vector<2048x1xf32> to vector<2048x64xf32>
    %eq3A_20 = arith.cmpf oeq, %select_n3A_15, %eq3A_19 : vector<2048x64xf32>
    %jit3A_21 = arith.constant 64 : i32
    %broadcast_in_dim3A_22 = vector.broadcast %jit3A_21 : i32 to vector<2048x64xi32>
    %select_n3A_23 = arith.select %eq3A_20, %iota3A, %broadcast_in_dim3A_22 : vector<2048x64xi1>, vector<2048x64xi32>
    %reduce_min3A_24 = arith.constant dense<2147483647> : vector<2048xi32>
    %reduce_min3A_25 = vector.multi_reduction <minsi>, %select_n3A_23, %reduce_min3A_24 [1] : vector<2048x64xi32> to vector<2048xi32>
    %broadcast_in_dim3A_26 = vector.shape_cast %reduce_min3A_25 : vector<2048xi32> to vector<2048x1xi32>
    %sub3A = arith.subf %broadcast_in_dim3A, %broadcast_in_dim3A_18 : vector<2048x1xf32>
    %logistic3A = arith.negf %sub3A : vector<2048x1xf32>
    %logistic3A_27 = math.exp %logistic3A : vector<2048x1xf32>
    %logistic3A_28 = arith.constant 1.000000e+00 : f32
    %logistic3A_29 = vector.broadcast %logistic3A_28 : f32 to vector<2048x1xf32>
    %logistic3A_30 = arith.addf %logistic3A_29, %logistic3A_27 : vector<2048x1xf32>
    %logistic3A_31 = arith.divf %logistic3A_29, %logistic3A_30 : vector<2048x1xf32>
    %sub3A_32 = arith.subf %broadcast_in_dim3A_18, %broadcast_in_dim3A : vector<2048x1xf32>
    %logistic3A_33 = arith.negf %sub3A_32 : vector<2048x1xf32>
    %logistic3A_34 = math.exp %logistic3A_33 : vector<2048x1xf32>
    %logistic3A_35 = arith.constant 1.000000e+00 : f32
    %logistic3A_36 = vector.broadcast %logistic3A_35 : f32 to vector<2048x1xf32>
    %logistic3A_37 = arith.addf %logistic3A_36, %logistic3A_34 : vector<2048x1xf32>
    %logistic3A_38 = arith.divf %logistic3A_36, %logistic3A_37 : vector<2048x1xf32>
    %eq3A_39 = vector.broadcast %broadcast_in_dim3A_10 : vector<2048x1xi32> to vector<2048x64xi32>
    %eq3A_40 = arith.cmpi eq, %iota3A, %eq3A_39 : vector<2048x64xi32>
    %convert_element_type3A = arith.extui %eq3A_40 : vector<2048x64xi1> to vector<2048x64xi32>
    %convert_element_type3A_41 = arith.sitofp %convert_element_type3A : vector<2048x64xi32> to vector<2048x64xf32>
    %eq3A_42 = vector.broadcast %broadcast_in_dim3A_26 : vector<2048x1xi32> to vector<2048x64xi32>
    %eq3A_43 = arith.cmpi eq, %iota3A, %eq3A_42 : vector<2048x64xi32>
    %convert_element_type3A_44 = arith.extui %eq3A_43 : vector<2048x64xi1> to vector<2048x64xi32>
    %convert_element_type3A_45 = arith.sitofp %convert_element_type3A_44 : vector<2048x64xi32> to vector<2048x64xf32>
    %add3A = arith.addf %convert_element_type3A_41, %convert_element_type3A_45 : vector<2048x64xf32>
    %iota3A_46 = tpu.iota {dimensions = array<i32: 0>} : vector<2048x2048xi32>
    %iota3A_47 = tpu.iota {dimensions = array<i32: 1>} : vector<2048x2048xi32>
    %lt3A = arith.cmpi slt, %iota3A_47, %iota3A_46 : vector<2048x2048xi32>
    %convert_element_type3A_48 = arith.extui %lt3A : vector<2048x2048xi1> to vector<2048x2048xi32>
    %convert_element_type3A_49 = arith.sitofp %convert_element_type3A_48 : vector<2048x2048xi32> to vector<2048x2048xf32>
    %dot_general3A_50 = arith.constant dense<0.000000e+00> : vector<2048x64xf32>
    %dot_general3A_51 = tpu.matmul %convert_element_type3A_49, %add3A, %dot_general3A_50 {dimension_numbers = #tpu.dot_dimension_numbers<[1], [0], [0], [1], [0, 0, 1, 1], [], []>, transpose_lhs_hint = false} : vector<2048x2048xf32>, vector<2048x64xf32>, vector<2048x64xf32> -> vector<2048x64xf32>
    %mul3A = arith.mulf %dot_general3A_51, %convert_element_type3A_41 : vector<2048x64xf32>
    %reduce_sum3A = arith.constant dense<0.000000e+00> : vector<2048xf32>
    %reduce_sum3A_52 = vector.multi_reduction <add>, %mul3A, %reduce_sum3A [1] : vector<2048x64xf32> to vector<2048xf32>
    %broadcast_in_dim3A_53 = vector.shape_cast %reduce_sum3A_52 : vector<2048xf32> to vector<2048x1xf32>
    %convert_element_type3A_54 = arith.fptosi %broadcast_in_dim3A_53 : vector<2048x1xf32> to vector<2048x1xi32>
    %mul3A_55 = arith.mulf %dot_general3A_51, %convert_element_type3A_45 : vector<2048x64xf32>
    %reduce_sum3A_56 = arith.constant dense<0.000000e+00> : vector<2048xf32>
    %reduce_sum3A_57 = vector.multi_reduction <add>, %mul3A_55, %reduce_sum3A_56 [1] : vector<2048x64xf32> to vector<2048xf32>
    %broadcast_in_dim3A_58 = vector.shape_cast %reduce_sum3A_57 : vector<2048xf32> to vector<2048x1xf32>
    %convert_element_type3A_59 = arith.fptosi %broadcast_in_dim3A_58 : vector<2048x1xf32> to vector<2048x1xi32>
    %lt3A_60 = arith.constant 128 : i32
    %lt3A_61 = vector.broadcast %lt3A_60 : i32 to vector<2048x1xi32>
    %lt3A_62 = arith.cmpi slt, %convert_element_type3A_54, %lt3A_61 : vector<2048x1xi32>
    %lt3A_63 = arith.constant 128 : i32
    %lt3A_64 = vector.broadcast %lt3A_63 : i32 to vector<2048x1xi32>
    %lt3A_65 = arith.cmpi slt, %convert_element_type3A_59, %lt3A_64 : vector<2048x1xi32>
    %mul3A_66 = arith.constant 128 : i32
    %mul3A_67 = vector.broadcast %mul3A_66 : i32 to vector<2048x1xi32>
    %mul3A_68 = arith.muli %broadcast_in_dim3A_10, %mul3A_67 : vector<2048x1xi32>
    %mul3A_69 = arith.constant 128 : i32
    %mul3A_70 = vector.broadcast %mul3A_69 : i32 to vector<2048x1xi32>
    %mul3A_71 = arith.muli %broadcast_in_dim3A_26, %mul3A_70 : vector<2048x1xi32>
    %add3A_72 = arith.addi %mul3A_68, %convert_element_type3A_54 : vector<2048x1xi32>
    %jit3A_73 = arith.constant 8192 : i32
    %broadcast_in_dim3A_74 = vector.broadcast %jit3A_73 : i32 to vector<2048x1xi32>
    %select_n3A_75 = arith.select %lt3A_62, %add3A_72, %broadcast_in_dim3A_74 : vector<2048x1xi1>, vector<2048x1xi32>
    %add3A_76 = arith.addi %mul3A_71, %convert_element_type3A_59 : vector<2048x1xi32>
    %jit3A_77 = arith.constant 8192 : i32
    %broadcast_in_dim3A_78 = vector.broadcast %jit3A_77 : i32 to vector<2048x1xi32>
    %select_n3A_79 = arith.select %lt3A_65, %add3A_76, %broadcast_in_dim3A_78 : vector<2048x1xi1>, vector<2048x1xi32>
    %jit3A_80 = arith.constant 0 : i32
    %broadcast_in_dim3A_81 = vector.broadcast %jit3A_80 : i32 to vector<2048x1xi32>
    %select_n3A_82 = arith.select %lt3A_62, %convert_element_type3A_54, %broadcast_in_dim3A_81 : vector<2048x1xi1>, vector<2048x1xi32>
    %add3A_83 = arith.addi %mul3A_68, %select_n3A_82 : vector<2048x1xi32>
    %jit3A_84 = arith.constant 0 : i32
    %broadcast_in_dim3A_85 = vector.broadcast %jit3A_84 : i32 to vector<2048x1xi32>
    %select_n3A_86 = arith.select %lt3A_65, %convert_element_type3A_59, %broadcast_in_dim3A_85 : vector<2048x1xi1>, vector<2048x1xi32>
    %add3A_87 = arith.addi %mul3A_71, %select_n3A_86 : vector<2048x1xi32>
    %concatenate3A = tpu.concatenate %broadcast_in_dim3A_10, %broadcast_in_dim3A_26 in 1 : vector<2048x1xi32>, vector<2048x1xi32> -> vector<2048x2xi32>
    %swap3A = arith.constant 0 : index
    %swap3A_88 = arith.constant 0 : index
    %swap3A_89 = vector.load %arg2[%swap3A, %swap3A_88] : memref<2048x2xi32, #tpu.memory_space<vmem>>, vector<2048x2xi32>
    tpu.vector_store %arg2[%swap3A, %swap3A_88], %concatenate3A {strides = array<i32>} : memref<2048x2xi32, #tpu.memory_space<vmem>>, vector<2048x2xi32>,
    %concatenate3A_90 = tpu.concatenate %select_n3A_75, %select_n3A_79 in 1 : vector<2048x1xi32>, vector<2048x1xi32> -> vector<2048x2xi32>
    %swap3A_91 = arith.constant 0 : index
    %swap3A_92 = arith.constant 0 : index
    %swap3A_93 = vector.load %arg3[%swap3A_91, %swap3A_92] : memref<2048x2xi32, #tpu.memory_space<vmem>>, vector<2048x2xi32>
    tpu.vector_store %arg3[%swap3A_91, %swap3A_92], %concatenate3A_90 {strides = array<i32>} : memref<2048x2xi32, #tpu.memory_space<vmem>>, vector<2048x2xi32>,
    %concatenate3A_94 = tpu.concatenate %add3A_83, %add3A_87 in 1 : vector<2048x1xi32>, vector<2048x1xi32> -> vector<2048x2xi32>
    %swap3A_95 = arith.constant 0 : index
    %swap3A_96 = arith.constant 0 : index
    %swap3A_97 = vector.load %arg4[%swap3A_95, %swap3A_96] : memref<2048x2xi32, #tpu.memory_space<vmem>>, vector<2048x2xi32>
    tpu.vector_store %arg4[%swap3A_95, %swap3A_96], %concatenate3A_94 {strides = array<i32>} : memref<2048x2xi32, #tpu.memory_space<vmem>>, vector<2048x2xi32>,
    %convert_element_type3A_98 = arith.extui %lt3A_62 : vector<2048x1xi1> to vector<2048x1xi32>
    %convert_element_type3A_99 = arith.sitofp %convert_element_type3A_98 : vector<2048x1xi32> to vector<2048x1xf32>
    %mul3A_100 = arith.mulf %logistic3A_31, %convert_element_type3A_99 : vector<2048x1xf32>
    %convert_element_type3A_101 = arith.extui %lt3A_65 : vector<2048x1xi1> to vector<2048x1xi32>
    %convert_element_type3A_102 = arith.sitofp %convert_element_type3A_101 : vector<2048x1xi32> to vector<2048x1xf32>
    %mul3A_103 = arith.mulf %logistic3A_38, %convert_element_type3A_102 : vector<2048x1xf32>
    %concatenate3A_104 = tpu.concatenate %mul3A_100, %mul3A_103 in 1 : vector<2048x1xf32>, vector<2048x1xf32> -> vector<2048x2xf32>
    %swap3A_105 = arith.constant 0 : index
    %swap3A_106 = arith.constant 0 : index
    %swap3A_107 = vector.load %arg5[%swap3A_105, %swap3A_106] : memref<2048x2xf32, #tpu.memory_space<vmem>>, vector<2048x2xf32>
    tpu.vector_store %arg5[%swap3A_105, %swap3A_106], %concatenate3A_104 {strides = array<i32>} : memref<2048x2xf32, #tpu.memory_space<vmem>>, vector<2048x2xf32>,
    return
  }
}

module attributes {stable_mosaic.version = 14 : i64} {
  func.func @_ffn_body(%arg0: i32, %arg1: memref<128x768xf32, #tpu.memory_space<vmem>>, %arg2: memref<1x768x1536xf32, #tpu.memory_space<vmem>>, %arg3: memref<1x768x1536xf32, #tpu.memory_space<vmem>>, %arg4: memref<1x1536x768xf32, #tpu.memory_space<vmem>>, %arg5: memref<128x768xf32, #tpu.memory_space<vmem>>) attributes {dimension_semantics = [#tpu.dimension_semantics<arbitrary>], iteration_bounds = array<i64: 64>, scalar_prefetch = 0 : i64, scratch_operands = 0 : i64, tpu.core_type = #tpu.core_type<tc>, window_params = [{transform_indices = @transform_0, window_bounds = array<i64: 128, 768>}, {transform_indices = @transform_1, window_bounds = array<i64: 1, 768, 1536>}, {transform_indices = @transform_2, window_bounds = array<i64: 1, 768, 1536>}, {transform_indices = @transform_3, window_bounds = array<i64: 1, 1536, 768>}, {transform_indices = @transform_4, window_bounds = array<i64: 128, 768>}]} {
    %get3A = arith.constant 0 : index
    %get3A_0 = arith.constant 0 : index
    %get3A_1 = vector.load %arg1[%get3A, %get3A_0] : memref<128x768xf32, #tpu.memory_space<vmem>>, vector<128x768xf32>
    %get3A_2 = arith.constant 0 : index
    %get3A_3 = arith.constant 0 : index
    %get3A_4 = arith.constant 0 : index
    %get3A_5 = vector.load %arg2[%get3A_2, %get3A_3, %get3A_4] : memref<1x768x1536xf32, #tpu.memory_space<vmem>>, vector<1x768x1536xf32>
    %get3A_6 = vector.shape_cast %get3A_5 : vector<1x768x1536xf32> to vector<768x1536xf32>
    %dot_general3A = arith.constant dense<0.000000e+00> : vector<128x1536xf32>
    %dot_general3A_7 = tpu.matmul %get3A_1, %get3A_6, %dot_general3A {dimension_numbers = #tpu.dot_dimension_numbers<[1], [0], [0], [1], [0, 0, 1, 1], [], []>, transpose_lhs_hint = false} : vector<128x768xf32>, vector<768x1536xf32>, vector<128x1536xf32> -> vector<128x1536xf32>
    %get3A_8 = arith.constant 0 : index
    %get3A_9 = arith.constant 0 : index
    %get3A_10 = arith.constant 0 : index
    %get3A_11 = vector.load %arg3[%get3A_8, %get3A_9, %get3A_10] : memref<1x768x1536xf32, #tpu.memory_space<vmem>>, vector<1x768x1536xf32>
    %get3A_12 = vector.shape_cast %get3A_11 : vector<1x768x1536xf32> to vector<768x1536xf32>
    %dot_general3A_13 = arith.constant dense<0.000000e+00> : vector<128x1536xf32>
    %dot_general3A_14 = tpu.matmul %get3A_1, %get3A_12, %dot_general3A_13 {dimension_numbers = #tpu.dot_dimension_numbers<[1], [0], [0], [1], [0, 0, 1, 1], [], []>, transpose_lhs_hint = false} : vector<128x768xf32>, vector<768x1536xf32>, vector<128x1536xf32> -> vector<128x1536xf32>
    %logistic3A = arith.negf %dot_general3A_7 : vector<128x1536xf32>
    %logistic3A_15 = math.exp %logistic3A : vector<128x1536xf32>
    %logistic3A_16 = arith.constant 1.000000e+00 : f32
    %logistic3A_17 = vector.broadcast %logistic3A_16 : f32 to vector<128x1536xf32>
    %logistic3A_18 = arith.addf %logistic3A_17, %logistic3A_15 : vector<128x1536xf32>
    %logistic3A_19 = arith.divf %logistic3A_17, %logistic3A_18 : vector<128x1536xf32>
    %mul3A = arith.mulf %dot_general3A_7, %logistic3A_19 : vector<128x1536xf32>
    %mul3A_20 = arith.mulf %mul3A, %dot_general3A_14 : vector<128x1536xf32>
    %get3A_21 = arith.constant 0 : index
    %get3A_22 = arith.constant 0 : index
    %get3A_23 = arith.constant 0 : index
    %get3A_24 = vector.load %arg4[%get3A_21, %get3A_22, %get3A_23] : memref<1x1536x768xf32, #tpu.memory_space<vmem>>, vector<1x1536x768xf32>
    %get3A_25 = vector.shape_cast %get3A_24 : vector<1x1536x768xf32> to vector<1536x768xf32>
    %dot_general3A_26 = arith.constant dense<0.000000e+00> : vector<128x768xf32>
    %dot_general3A_27 = tpu.matmul %mul3A_20, %get3A_25, %dot_general3A_26 {dimension_numbers = #tpu.dot_dimension_numbers<[1], [0], [0], [1], [0, 0, 1, 1], [], []>, transpose_lhs_hint = false} : vector<128x1536xf32>, vector<1536x768xf32>, vector<128x768xf32> -> vector<128x768xf32>
    %swap3A = arith.constant 0 : index
    %swap3A_28 = arith.constant 0 : index
    %swap3A_29 = vector.load %arg5[%swap3A, %swap3A_28] : memref<128x768xf32, #tpu.memory_space<vmem>>, vector<128x768xf32>
    tpu.vector_store %arg5[%swap3A, %swap3A_28], %dot_general3A_27 {strides = array<i32>} : memref<128x768xf32, #tpu.memory_space<vmem>>, vector<128x768xf32>,
    return
  }
  func.func @transform_0(%arg0: i32) -> (i32, i32) {
    %c0_i32 = arith.constant 0 : i32
    %c0_i32_0 = arith.constant 0 : i32
    return %arg0, %c0_i32 : i32, i32
  }
  func.func @transform_1(%arg0: i32) -> (i32, i32, i32) {
    %c0_i32 = arith.constant 0 : i32
    %c0_i32_0 = arith.constant 0 : i32
    %c0_i32_1 = arith.constant 0 : i32
    return %arg0, %c0_i32, %c0_i32_0 : i32, i32, i32
  }
  func.func @transform_2(%arg0: i32) -> (i32, i32, i32) {
    %c0_i32 = arith.constant 0 : i32
    %c0_i32_0 = arith.constant 0 : i32
    %c0_i32_1 = arith.constant 0 : i32
    return %arg0, %c0_i32, %c0_i32_0 : i32, i32, i32
  }
  func.func @transform_3(%arg0: i32) -> (i32, i32, i32) {
    %c0_i32 = arith.constant 0 : i32
    %c0_i32_0 = arith.constant 0 : i32
    %c0_i32_1 = arith.constant 0 : i32
    return %arg0, %c0_i32, %c0_i32_0 : i32, i32, i32
  }
  func.func @transform_4(%arg0: i32) -> (i32, i32) {
    %c0_i32 = arith.constant 0 : i32
    %c0_i32_0 = arith.constant 0 : i32
    return %arg0, %c0_i32 : i32, i32
  }
}

module attributes {stable_mosaic.version = 14 : i64} {
  func.func @_combine_body(%arg0: i32, %arg1: memref<256x768xf32, #tpu.memory_space<vmem>>, %arg2: memref<768x3072xf32, #tpu.memory_space<vmem>>, %arg3: memref<768x3072xf32, #tpu.memory_space<vmem>>, %arg4: memref<3072x768xf32, #tpu.memory_space<vmem>>, %arg5: memref<256x768xf32, #tpu.memory_space<vmem>>, %arg6: memref<256x768xf32, #tpu.memory_space<vmem>>, %arg7: memref<256x2xf32, #tpu.memory_space<vmem>>, %arg8: memref<256x768xf32, #tpu.memory_space<vmem>>) attributes {dimension_semantics = [#tpu.dimension_semantics<arbitrary>], iteration_bounds = array<i64: 8>, scalar_prefetch = 0 : i64, scratch_operands = 0 : i64, tpu.core_type = #tpu.core_type<tc>, window_params = [{transform_indices = @transform_0, window_bounds = array<i64: 256, 768>}, {pipeline_mode = #tpu.pipeline_mode<synchronous>, transform_indices = @transform_1, window_bounds = array<i64: 768, 3072>}, {pipeline_mode = #tpu.pipeline_mode<synchronous>, transform_indices = @transform_2, window_bounds = array<i64: 768, 3072>}, {pipeline_mode = #tpu.pipeline_mode<synchronous>, transform_indices = @transform_3, window_bounds = array<i64: 3072, 768>}, {transform_indices = @transform_4, window_bounds = array<i64: 256, 768>}, {transform_indices = @transform_5, window_bounds = array<i64: 256, 768>}, {transform_indices = @transform_6, window_bounds = array<i64: 256, 2>}, {transform_indices = @transform_7, window_bounds = array<i64: 256, 768>}]} {
    %get3A = arith.constant 0 : index
    %get3A_0 = arith.constant 0 : index
    %get3A_1 = vector.load %arg1[%get3A, %get3A_0] : memref<256x768xf32, #tpu.memory_space<vmem>>, vector<256x768xf32>
    %get3A_2 = arith.constant 0 : index
    %get3A_3 = arith.constant 0 : index
    %get3A_4 = vector.load %arg2[%get3A_2, %get3A_3] : memref<768x3072xf32, #tpu.memory_space<vmem>>, vector<768x3072xf32>
    %dot_general3A = arith.constant dense<0.000000e+00> : vector<256x3072xf32>
    %dot_general3A_5 = tpu.matmul %get3A_1, %get3A_4, %dot_general3A {dimension_numbers = #tpu.dot_dimension_numbers<[1], [0], [0], [1], [0, 0, 1, 1], [], []>, transpose_lhs_hint = false} : vector<256x768xf32>, vector<768x3072xf32>, vector<256x3072xf32> -> vector<256x3072xf32>
    %get3A_6 = arith.constant 0 : index
    %get3A_7 = arith.constant 0 : index
    %get3A_8 = vector.load %arg3[%get3A_6, %get3A_7] : memref<768x3072xf32, #tpu.memory_space<vmem>>, vector<768x3072xf32>
    %dot_general3A_9 = arith.constant dense<0.000000e+00> : vector<256x3072xf32>
    %dot_general3A_10 = tpu.matmul %get3A_1, %get3A_8, %dot_general3A_9 {dimension_numbers = #tpu.dot_dimension_numbers<[1], [0], [0], [1], [0, 0, 1, 1], [], []>, transpose_lhs_hint = false} : vector<256x768xf32>, vector<768x3072xf32>, vector<256x3072xf32> -> vector<256x3072xf32>
    %logistic3A = arith.negf %dot_general3A_5 : vector<256x3072xf32>
    %logistic3A_11 = math.exp %logistic3A : vector<256x3072xf32>
    %logistic3A_12 = arith.constant 1.000000e+00 : f32
    %logistic3A_13 = vector.broadcast %logistic3A_12 : f32 to vector<256x3072xf32>
    %logistic3A_14 = arith.addf %logistic3A_13, %logistic3A_11 : vector<256x3072xf32>
    %logistic3A_15 = arith.divf %logistic3A_13, %logistic3A_14 : vector<256x3072xf32>
    %mul3A = arith.mulf %dot_general3A_5, %logistic3A_15 : vector<256x3072xf32>
    %mul3A_16 = arith.mulf %mul3A, %dot_general3A_10 : vector<256x3072xf32>
    %get3A_17 = arith.constant 0 : index
    %get3A_18 = arith.constant 0 : index
    %get3A_19 = vector.load %arg4[%get3A_17, %get3A_18] : memref<3072x768xf32, #tpu.memory_space<vmem>>, vector<3072x768xf32>
    %dot_general3A_20 = arith.constant dense<0.000000e+00> : vector<256x768xf32>
    %dot_general3A_21 = tpu.matmul %mul3A_16, %get3A_19, %dot_general3A_20 {dimension_numbers = #tpu.dot_dimension_numbers<[1], [0], [0], [1], [0, 0, 1, 1], [], []>, transpose_lhs_hint = false} : vector<256x3072xf32>, vector<3072x768xf32>, vector<256x768xf32> -> vector<256x768xf32>
    %get3A_22 = arith.constant 0 : index
    %get3A_23 = arith.constant 0 : index
    %get3A_24 = vector.load %arg7[%get3A_22, %get3A_23] : memref<256x2xf32, #tpu.memory_space<vmem>>, vector<256x1xf32>
    %get3A_25 = arith.constant 0 : index
    %get3A_26 = arith.constant 1 : index
    %get3A_27 = vector.load %arg7[%get3A_25, %get3A_26] : memref<256x2xf32, #tpu.memory_space<vmem>>, vector<256x1xf32>
    %get3A_28 = arith.constant 0 : index
    %get3A_29 = arith.constant 0 : index
    %get3A_30 = vector.load %arg5[%get3A_28, %get3A_29] : memref<256x768xf32, #tpu.memory_space<vmem>>, vector<256x768xf32>
    %mul3A_31 = vector.broadcast %get3A_24 : vector<256x1xf32> to vector<256x768xf32>
    %mul3A_32 = arith.mulf %get3A_30, %mul3A_31 : vector<256x768xf32>
    %add3A = arith.addf %dot_general3A_21, %mul3A_32 : vector<256x768xf32>
    %get3A_33 = arith.constant 0 : index
    %get3A_34 = arith.constant 0 : index
    %get3A_35 = vector.load %arg6[%get3A_33, %get3A_34] : memref<256x768xf32, #tpu.memory_space<vmem>>, vector<256x768xf32>
    %mul3A_36 = vector.broadcast %get3A_27 : vector<256x1xf32> to vector<256x768xf32>
    %mul3A_37 = arith.mulf %get3A_35, %mul3A_36 : vector<256x768xf32>
    %add3A_38 = arith.addf %add3A, %mul3A_37 : vector<256x768xf32>
    %swap3A = arith.constant 0 : index
    %swap3A_39 = arith.constant 0 : index
    %swap3A_40 = vector.load %arg8[%swap3A, %swap3A_39] : memref<256x768xf32, #tpu.memory_space<vmem>>, vector<256x768xf32>
    tpu.vector_store %arg8[%swap3A, %swap3A_39], %add3A_38 {strides = array<i32>} : memref<256x768xf32, #tpu.memory_space<vmem>>, vector<256x768xf32>,
    return
  }
  func.func @transform_0(%arg0: i32) -> (i32, i32) {
    %c0_i32 = arith.constant 0 : i32
    %c0_i32_0 = arith.constant 0 : i32
    return %arg0, %c0_i32 : i32, i32
  }
  func.func @transform_1(%arg0: i32) -> (i32, i32) {
    %c0_i32 = arith.constant 0 : i32
    %c0_i32_0 = arith.constant 0 : i32
    %c0_i32_1 = arith.constant 0 : i32
    return %c0_i32, %c0_i32_0 : i32, i32
  }
  func.func @transform_2(%arg0: i32) -> (i32, i32) {
    %c0_i32 = arith.constant 0 : i32
    %c0_i32_0 = arith.constant 0 : i32
    %c0_i32_1 = arith.constant 0 : i32
    return %c0_i32, %c0_i32_0 : i32, i32
  }
  func.func @transform_3(%arg0: i32) -> (i32, i32) {
    %c0_i32 = arith.constant 0 : i32
    %c0_i32_0 = arith.constant 0 : i32
    %c0_i32_1 = arith.constant 0 : i32
    return %c0_i32, %c0_i32_0 : i32, i32
  }
  func.func @transform_4(%arg0: i32) -> (i32, i32) {
    %c0_i32 = arith.constant 0 : i32
    %c0_i32_0 = arith.constant 0 : i32
    return %arg0, %c0_i32 : i32, i32
  }
  func.func @transform_5(%arg0: i32) -> (i32, i32) {
    %c0_i32 = arith.constant 0 : i32
    %c0_i32_0 = arith.constant 0 : i32
    return %arg0, %c0_i32 : i32, i32
  }
  func.func @transform_6(%arg0: i32) -> (i32, i32) {
    %c0_i32 = arith.constant 0 : i32
    %c0_i32_0 = arith.constant 0 : i32
    return %arg0, %c0_i32 : i32, i32
  }
  func.func @transform_7(%arg0: i32) -> (i32, i32) {
    %c0_i32 = arith.constant 0 : i32
    %c0_i32_0 = arith.constant 0 : i32
    return %arg0, %c0_i32 : i32, i32
  }
}

</mosaic_0001>

<sc_bundles>
// kernel: kernel.10.cloned.1.call-start
scs
__scs_entry_jumppad:
0x0: {  	(pc) =	sbr.rel $0x88, $3  }
0x1: {  	(tag) =	ssettag $0x0;
	lr =	simm.s32 $0x1  }
0x2: {  	[smem:$0x3F99] =	sst lr;
	_ =	strace $0xD0000000  }
0x3: {  	_ = 	snop  }
0x4: {  	_ = 	snop  }
0x5: {  	_ = 	snop  }
0x6: {  	_ = 	snop  }
0x7: {  	_ = 	snop  }
__scs_overlays_trampoline_lowered:
0x8: {  	[smem:$0x3FA8] =	sst s0  }
0x9: {  	[smem:$0x3FA9] =	sst s1  }
0xa: {  	[smem:$0x3FAA] =	sst s2  }
0xb: {  	[smem:$0x3FAB] =	sst s3  }
0xc: {  	[smem:$0x3FAC] =	sst s4  }
0xd: {  	[smem:$0x3FAD] =	sst s5  }
0xe: {  	[smem:$0x3FAE] =	sst s6  }
0xf: {  	[smem:$0x3FAF] =	sst s7  }
0x10: {  	[smem:$0x3FB0] =	sst s8  }
0x11: {  	[smem:$0x3FB1] =	sst s9;
	s0 =	simm.s32 @!p0 $0x0  }
0x12: {  	s1 =	sld [smem:$0x3F97];
	s0 =	simm.s32 @p0 $0x1  }
0x13: {  	[smem:$0x3FB2] =	sst s0;
	s0 =	simm.s32 @!p1 $0x0  }
0x14: {  	s2 =	sld [smem:$0x3F96];
	s0 =	simm.s32 @p1 $0x1  }
0x15: {  	[smem:$0x3FB3] =	sst s0;
	s0 =	simm.s32 @!p2 $0x0  }
0x16: {  	s3 =	sld [smem:$0x3FDB];
	s0 =	simm.s32 @p2 $0x1  }
0x17: {  	s4 =	simm.s32 $0x1BF5;
	[smem:$0x3FB5] =	sst s0  }
0x18: {  	s0 =	sld [smem:$0x3F98];
	_ =	swait.ge [sflag:s4], $0x0  }
0x19: {  	s7 =	sld [smem:$0x3F99]  }
0x1a: {  	s8 =	sadd.s32 $0xFFFFE003, lr  }
0x1b: {  	s9 =	sadd.s32 $0xFFFFFEF7, lr;
	s5 =	simm.s32 $0xFFFFFFFF;
	p2 =	slt.u32 s8, $0xFFFFF086  }
0x1c: {  	p1 =	slt.u32 s9, $0xF7A;
	s5 =	simm.s32 @!p2 $0x0  }
0x1d: {  	s5 =	simm.s32 @p1 $0x1;
	p0 =	seq.s32 s7, s2  }
0x1e: {  	s7 =	smul.u32 @!p0 $0xF7A, s2;
	p2 =	seq.s32 @!p0 s5, $0x0  }
0x1f: {  	s9 =	smul.u32 $0xF7A, s1;
	s8 =	simm.s32 @!p0 $0x1BF5;
	p2 =	por !p2, p0  }
0x20: {  	[sflag:s8] =	ssyncset.s32 @!p0 $0xFFFFF086;
	s6 =	sadd.s32 @!p0 s3, s7;
	s7 =	simm.s32 @!p0 $0x108  }
0x21: {  	s3 =	sadd.s32 s3, s9;
	s6 =	sadd.s32 @!p0 $0x88, s6;
	s7 =	simm.s32 @p2 $0x1082  }
0x22: {  	[simem:s7], [sflag:s8] =	dma.local @!p0 [hbm:s6], $0xF7A  }
0x23: {  	s9 =	sor.u32 $0xD0000000, s2;
	s6 =	simm.s32 $0x108;
	_ =	swait.ge @!p0 [sflag:s8], $0x0  }
0x24: {  	s3 =	sadd.s32 $0x88, s3;
	s6 =	simm.s32 @!p1 $0x1082;
	[sflag:s4] =	ssyncset.s32 $0xFFFFF086  }
0x25: {  	[simem:s6], [sflag:s4] =	dma.local [hbm:s3], $0xF7A  }
0x26: {  	[smem:$0x3F99] =	sst s1;
	(tag) =	ssettag s2;
	_ =	strace s9  }
0x27: {  	s1 =	sld [smem:$0x3FA9]  }
0x28: {  	s2 =	sld [smem:$0x3FAA]  }
0x29: {  	s4 =	sld [smem:$0x3FAC]  }
0x2a: {  	p0 =	seq.s32 s5, $0x0;
	s5 =	sld [smem:$0x3FAD]  }
0x2b: {  	s6 =	sld [smem:$0x3FAE]  }
0x2c: {  	s7 =	sld [smem:$0x3FAF]  }
0x2d: {  	s3 =	simm.s32 $0x108;
	s8 =	sld [smem:$0x3FB0]  }
0x2e: {  	s3 =	simm.s32 @!p0 $0x1082;
	s9 =	sld [smem:$0x3FB1]  }
0x2f: {  	lr =	sadd.s32 s0, s3;
	s0 =	sld [smem:$0x3FA8]  }
0x30: {  	s3 =	sld [smem:$0x3FAB]  }
0x31: {  	[smem:$0x3FB4] =	sst s10  }
0x32: {  	s10 =	sld [smem:$0x3FB2];
	_ =	sdelay $0x3  }
0x33: {  	p0 =	seq.s32 s10, $0x1;
	s10 =	sld [smem:$0x3FB4];
	_ =	sdelay $0x3  }
0x34: {  	[smem:$0x3FB4] =	sst s10  }
0x35: {  	s10 =	sld [smem:$0x3FB3];
	_ =	sdelay $0x3  }
0x36: {  	p1 =	seq.s32 s10, $0x1;
	s10 =	sld [smem:$0x3FB4];
	_ =	sdelay $0x3  }
0x37: {  	[smem:$0x3FB4] =	sst s10  }
0x38: {  	s10 =	sld [smem:$0x3FB5]  }
0x39: {  	_ = 	snop;
	(pc) =	sbr.ind lr, $3  }
0x3a: {  	_ = 	snop  }
0x3b: {  	_ = 	snop  }
0x3c: {  	p2 =	seq.s32 s10, $0x1;
	s10 =	sld [smem:$0x3FB4]  }
0x3d: {  	_ =	shalt  }
0x3e: {  	_ =	shalt  }
0x3f: {  	_ =	shalt  }
0x40: {  	_ =	shalt  }
0x41: {  	_ =	shalt  }
0x42: {  	_ =	shalt  }
0x43: {  	_ =	shalt  }
0x44: {  	_ =	shalt  }
0x45: {  	_ =	shalt  }
0x46: {  	_ =	shalt  }
0x47: {  	_ =	shalt  }
0x48: {  	_ =	shalt  }
0x49: {  	_ =	shalt  }
0x4a: {  	_ =	shalt  }
0x4b: {  	_ =	shalt  }
0x4c: {  	_ =	shalt  }
0x4d: {  	_ =	shalt  }
0x4e: {  	_ =	shalt  }
0x4f: {  	_ =	shalt  }
0x50: {  	_ =	shalt  }
0x51: {  	_ =	shalt  }
0x52: {  	_ =	shalt  }
0x53: {  	_ =	shalt  }
0x54: {  	_ =	shalt  }
0x55: {  	_ =	shalt  }
0x56: {  	_ =	shalt  }
0x57: {  	_ =	shalt  }
0x58: {  	_ =	shalt  }
0x59: {  	_ =	shalt  }
0x5a: {  	_ =	shalt  }
0x5b: {  	_ =	shalt  }
0x5c: {  	_ =	shalt  }
0x5d: {  	_ =	shalt  }
0x5e: {  	_ =	shalt  }
0x5f: {  	_ =	shalt  }
0x60: {  	_ =	shalt  }
0x61: {  	_ =	shalt  }
0x62: {  	_ =	shalt  }
0x63: {  	_ =	shalt  }
0x64: {  	_ =	shalt  }
0x65: {  	_ =	shalt  }
0x66: {  	_ =	shalt  }
0x67: {  	_ =	shalt  }
0x68: {  	_ =	shalt  }
0x69: {  	_ =	shalt  }
0x6a: {  	_ =	shalt  }
0x6b: {  	_ =	shalt  }
0x6c: {  	_ =	shalt  }
0x6d: {  	_ =	shalt  }
0x6e: {  	_ =	shalt  }
0x6f: {  	_ =	shalt  }
0x70: {  	_ =	shalt  }
0x71: {  	_ =	shalt  }
0x72: {  	_ =	shalt  }
0x73: {  	_ =	shalt  }
0x74: {  	_ =	shalt  }
0x75: {  	_ =	shalt  }
0x76: {  	_ =	shalt  }
0x77: {  	_ =	shalt  }
0x78: {  	_ =	shalt  }
0x79: {  	_ =	shalt  }
0x7a: {  	_ =	shalt  }
0x7b: {  	_ =	shalt  }
0x7c: {  	_ =	shalt  }
0x7d: {  	_ =	shalt  }
0x7e: {  	_ =	shalt  }
0x7f: {  	_ =	shalt  }
0x80: {  	_ =	shalt  }
0x81: {  	_ =	shalt  }
0x82: {  	_ =	shalt  }
0x83: {  	_ =	shalt  }
0x84: {  	_ =	shalt  }
0x85: {  	_ =	shalt  }
0x86: {  	_ =	shalt  }
0x87: {  	_ =	shalt  }
.Lfunc_end0:
.L_simem_size_0:
called_computation.1_lowered:
.L_overlay_start_0:
0x88: {  	s2 =	sld [smem:$0x3FD9]  }
0x89: {  	s3 =	sld [smem:$0x3FFE];
	_ =	sdelay $0x1  }
0x8a: {  	s1 =	srdreg.scid  }
0x8b: {  	s0 =	sand.u32 $0x1, s1  }
0x8c: {  	s16 =	sshll.u32 s0, $0xA;
	s2 =	sadd.s32 s3, s2  }
0x8d: {  	s2 =	sadd.s32 s2, s16  }
0x8e: {  	[smem:$0x3FC0] =	sst s2  }
0x8f: {  	_ = 	snop  }
0x90: {  	(tm) =	ssettm $0x1  }
0x91: {  	s17 =	sld [smem:$0x3FFB];
	_ =	sdelay $0x3  }
0x92: {  	_ =	strace s17  }
0x93: {  	s2 =	sld [smem:$0x3FFC];
	_ =	sdelay $0x3  }
0x94: {  	_ =	strace s2  }
0x95: {  	s2 =	sld [smem:$0x3FFD];
	_ =	sdelay $0x3  }
0x96: {  	_ =	strace s2  }
0x97: {  	_ =	strace $0x8FFFFFFF  }
0x98: {  	s18 =	sld [smem:$0x3FDB];
	_ =	sdelay $0x1  }
0x99: {  	s19 =	simm.s32 $_scs_section_size  }
0x9a: {  	s4 =	simm.s32 $_size__tile_overlayer_lowered;
	s5 =	simm.s32 $_tile_overlayer_lowered  }
0x9b: {  	s22 =	simm.s32 $0x1BFF;
	s21 =	sshll.u32 s5, $0x1;
	s2 =	sadd.s32 s19, s18  }
0x9c: {  	s6 =	simm.s32 $0x0;
	s20 =	sshll.u32 s4, $0x1;
	s4 =	sadd.s32 s21, s2  }
0x9d: {  	[timem:s6], [sflag:s22] =	dma.local [hbm:s4], s20  }
0x9e: {  	_ =	swait.ge [sflag:s22], s20  }
0x9f: {  	s3 =	ssub.s32 $0x0, s20;
	[sflag:s22] =	ssyncset.done $0x0  }
0xa0: {  	[sflag:s22] =	ssyncadd.s32 s3;
	_ =	sdelay $0x1  }
0xa1: {  	s23 =	simm.s32 $0x1B8B  }
0xa2: {  	_ =	swait.ge [sflag:s23], $0x1  }
0xa3: {  	[sflag:s23] =	ssyncset.done $0x0  }
0xa4: {  	s25 =	simm.s32 $0x1B8E;
	s24 =	sld [smem:$0x3FFE];
	[sflag:s23] =	ssyncadd.s32 $0xFFFFFFFF  }
0xa5: {  	s26 =	simm.s32 $execute0_lowered;
	[smem:$0x3FD2] =	sst s25  }
0xa6: {  	s4 =	sshll.u32 s26, $0x1;
	_ =	strace $0x80000049;
	[dreg:$0x1] =	wrdreg $0xFFFFFFFF  }
0xa7: {  	s28 =	simm.s32 $_size_execute0_lowered;
	s2 =	sadd.s32 s2, s4;
	[dreg:$0x0] =	wrdreg $0x0  }
0xa8: {  	s4 =	sshll.u32 s28, $0x1;
	[dreg:$0x2] =	wrdreg s2  }
0xa9: {  	[dreg:$0x3] =	wrdreg s4  }
0xaa: {  	[dreg:$0x4] =	wrdreg $0xC0  }
0xab: {  	_ =	task [dreg:s6], $0x5FFFF  }
0xac: {  	[dreg:$0x1] =	wrdreg $0xFFFFFFFF  }
0xad: {  	[dreg:$0x0] =	wrdreg $0x60  }
0xae: {  	[dreg:$0x2] =	wrdreg s24  }
0xaf: {  	[dreg:$0x3] =	wrdreg $0x9  }
0xb0: {  	_ =	task.clear_ibuf [dreg:s6], $0x4FFFF;
	_ =	strace $0x90000049  }
0xb1: {  	s29 =	simm.s32 $0x9;
	_ =	strace $0x8000004B  }
0xb2: {  	_ =	swait.ge [sflag:s29], $0x1  }
0xb3: {  	[sflag:s29] =	ssyncadd.s32 $0xFFFFFFFF  }
0xb4: {  	_ =	strace $0x9000004B  }
0xb5: {  	_ =	sfence  }
0xb6: {  	s30 =	sld [smem:$0x0];
	_ =	sdelay $0x2  }
0xb7: {  	s31 =	sshll.u32 s1, $0xD;
	s1 =	sshrl.u32 s1, $0x2  }
0xb8: {  	s3 =	sand.u32 $0x4000, s31;
	s1 =	sadd.s32 s1, s30  }
0xb9: {  	s0 =	sor.u32 s3, s0;
	s1 =	sshll.u32 s1, $0x11  }
0xba: {  	s0 =	sor.u32 s1, s0  }
0xbb: {  	s0 =	sadd.s32 $0x8F2B, s0  }
0xbc: {  	[sflag:s0] =	ssyncadd.remote.s32 $0x1  }
0xbd: {  	_ =	sfence.sel $0xFFFF  }
0xbe: {  	[dreg:$0x0] =	wrdreg $0xFFFFFFFF;
	(pc) =	sbr.abs _section_cstart, $3  }
0xbf: {  	[dreg:$0x1] =	wrdreg $0xFFFFFFFF  }
0xc0: {  	_ =	task.clear_ibuf [dreg:s6], $0x2FFFF;
	_ =	strace $0x9FFFFFFF  }
0xc1: {  	(tm) =	ssettm $0x7FFFFFFF  }
tec
execute0_lowered:
.L_overlay_start_1:
0x0: {  	(tag) =	ssettag $0x1  }
0x1: {  	s1 =	srdreg.scid;
	s0 =	stileid.u32  }
0x2: {  	s4 =	sand.u32 $0x1, s1;
	s2 =	sshll.u32 s0, $0x1  }
0x3: {  	s1 =	rddreg [dreg:$0x0];
	s3 =	sor.u32 s4, s2;
	s2 =	simm.s32 $0x0  }
0x4: {  	s24 =	simm.s32 $0x80;
	[smem:$0x7FF] =	sst s2  }
0x5: {  	s25 =	simm.s32 $0x900;
	_ =	strace $0x8000004A;
	[dreg:$0x6] =	wrdreg s24  }
0x6: {  	s26 =	simm.s32 $0x1100;
	[dreg:$0x7] =	wrdreg s25  }
0x7: {  	s0 =	simm.s32 $0x1900;
	[dreg:$0x8] =	wrdreg s26  }
0x8: {  	s7 =	simm.s32 $0x3100;
	[dreg:$0x9] =	wrdreg s0  }
0x9: {  	s8 =	simm.s32 $0x3900;
	[dreg:$0xc] =	wrdreg s7  }
0xa: {  	s9 =	simm.s32 $0x4100;
	[dreg:$0xd] =	wrdreg s8  }
0xb: {  	s10 =	simm.s32 $0x4900;
	[dreg:$0xe] =	wrdreg s9  }
0xc: {  	s11 =	simm.s32 $0x5100;
	[dreg:$0xf] =	wrdreg s10  }
0xd: {  	s12 =	simm.s32 $0x5900;
	[dreg:$0x10] =	wrdreg s11  }
0xe: {  	s13 =	simm.s32 $0x6100;
	[dreg:$0x11] =	wrdreg s12  }
0xf: {  	s14 =	simm.s32 $0x6900;
	[dreg:$0x12] =	wrdreg s13  }
0x10: {  	s15 =	simm.s32 $0x7100;
	s16 =	simm.s32 $0x7900;
	[dreg:$0x13] =	wrdreg s14  }
0x11: {  	s17 =	simm.s32 $0x8100;
	s18 =	simm.s32 $0x8900;
	[dreg:$0x14] =	wrdreg s15  }
0x12: {  	s19 =	simm.s32 $0x9100;
	s21 =	simm.s32 $0x9900;
	[dreg:$0x15] =	wrdreg s16  }
0x13: {  	s22 =	simm.s32 $0xA100;
	s28 =	simm.s32 $0x16100;
	[dreg:$0x16] =	wrdreg s17  }
0x14: {  	s29 =	simm.s32 $0x16900;
	s30 =	simm.s32 $0x17100;
	[dreg:$0x17] =	wrdreg s18  }
0x15: {  	s31 =	simm.s32 $0x17900;
	s4 =	ssub.s32 $0x2, s4;
	[dreg:$0x18] =	wrdreg s19  }
0x16: {  	s5 =	sshll.u32 s3, $0x4;
	s3 =	smul.u32 $0x1800, s3;
	[dreg:$0x19] =	wrdreg s21  }
0x17: {  	s20 =	sshrl.u32 s4, $0x1;
	s5 =	sadd.s32 s5, s1;
	[dreg:$0x1a] =	wrdreg s22  }
0x18: {  	s7 =	simm.s32 $0xA900;
	s24 =	simm.s32 $0xB900;
	s25 =	simm.s32 $0xC900  }
0x19: {  	s8 =	simm.s32 $0x100;
	s26 =	simm.s32 $0xD100;
	s9 =	simm.s32 $0xC100  }
0x1a: {  	s11 =	simm.s32 $0xE100;
	s12 =	simm.s32 $0xE900;
	s13 =	simm.s32 $0xF100  }
0x1b: {  	s14 =	simm.s32 $0xF900;
	s15 =	simm.s32 $0x10100;
	[dreg:$0x1b] =	wrdreg s7  }
0x1c: {  	s16 =	simm.s32 $0x10900;
	s17 =	simm.s32 $0x11100;
	[dreg:$0x1d] =	wrdreg s24  }
0x1d: {  	s18 =	simm.s32 $0x11900;
	s19 =	simm.s32 $0x12100;
	[dreg:$0x1e] =	wrdreg s25  }
0x1e: {  	s21 =	simm.s32 $0x13100;
	s6 =	sadd.s32 $0xA00, s5;
	[dreg:$0x1f] =	wrdreg s26  }
0x1f: {  	s3 =	sadd.s32 s3, s1;
	s5 =	sadd.s32 $0xC00, s5;
	[dreg:$0x2] =	wrdreg s6  }
0x20: {  	s22 =	simm.s32 $0x13900;
	[dreg:$0x3] =	wrdreg s5;
	s23 =	sadd.s32 $0x1B800, s3  }
0x21: {  	s7 =	simm.s32 $0x2;
	s3 =	sadd.s32 $0x4B800, s3;
	[dreg:$0x4] =	wrdreg s23  }
0x22: {  	s24 =	simm.s32 $0x14900;
	s5 =	simm.s32 $0x2100;
	[dreg:$0x5] =	wrdreg s3  }
0x23: {  	s25 =	simm.s32 $0x15100;
	s6 =	simm.s32 $0x2900;
	[dreg:$0xa] =	wrdreg s5  }
0x24: {  	s26 =	simm.s32 $0x15900;
	[dreg:$0xb] =	wrdreg s6;
	s3 =	sadd.s32 $0xDE800, s1  }
0x25: {  	v2 =	vlaneseq.u32;
	s6 =	ssub.s32 s4, s20;
	s4 =	sadd.s32 $0xDE900, s1;
	s5 =	sadd.s32 $0xDEA00, s1  }
0x26: {  	vm0 =	vmmov $0xffff;
	v1 =	vshrl.u32 v2, $0x3;
	s23 =	simm.s32 $0xB100;
	s20 =	simm.s32 $0x12900;
	s1 =	simm.s32 $0x1  }
0x27: {  	v0 =	vand.u32 $0x7, v2;
	v2 =	vor.u32 $0x8, v2;
	v1 =	vmul.u32 $0x8, v1;
	s6 =	smax.u32 s6, $0x1;
	[dreg:$0x1c] =	wrdreg s23;
	s23 =	simm.s32 $0x14100  }
.LBB2_1:
0x28: {  	s0 =	rddreg [dreg:$0x2]  }
0x29: {  	[tilespmem:s2], [sflag:$0x2] =	stream.linear.gather [hbm4b:s0+s2], $0x80, $0x38;
	[tilespmem:$0x18100] =	vst v63  }
0x2a: {  	_ =	swait.ge [sflag:s7], $0x80  }
0x2b: {  	s0 =	rddreg [dreg:$0x3];
	[sflag:s7] =	ssyncset.done $0x0  }
0x2c: {  	s10 =	rddreg [dreg:$0x6];
	[sflag:s7] =	ssyncadd.s32 $0xFFFFFF80  }
0x2d: {  	[tilespmem:s10], [sflag:$0x2] =	stream.linear.gather [hbm4b:s0+s2], $0x80, $0x38;
	[tilespmem:$0x18100] =	vst v63  }
0x2e: {  	_ =	swait.ge [sflag:s7], $0x80  }
0x2f: {  	[sflag:s7] =	ssyncset.done $0x0  }
0x30: {  	[sflag:s7] =	ssyncadd.s32 $0xFFFFFF80  }
0x31: {  	v3 =	vld [tilespmem:$0x0];
	_ =	sdelay $0x4  }
0x32: {  	v4 =	vshrl.u32 v3, $0x3  }
0x33: {  	v4 =	vmul.u32 $0x30, v4  }
0x34: {  	v3 =	vand.u32 $0x7, v3  }
0x35: {  	v3 =	vor.u32 v3, v4  }
0x36: {  	v4 =	vperm.xlane v3, v0;
	_ =	sdelay $0x1  }
0x37: {  	v4 =	vadd.s32 v1, v4;
	_ =	sdelay $0x3  }
0x38: {  	v3 =	vperm.xlane v3, v2  }
0x39: {  	[tilespmem:s8], [sflag:$0x1] =	stream.indirect_vreg.gather [hbm4b:s3+s2], $0x80, v4, vm0, $0xb8;
	[tilespmem:$0x18100] =	vst v63  }
0x3a: {  	s0 =	rddreg [dreg:$0x7];
	v3 =	vadd.s32 v1, v3  }
0x3b: {  	[tilespmem:s0], [sflag:$0x1] =	stream.indirect_vreg.gather [hbm4b:s4+s2], $0x80, v4, vm0, $0xb8;
	[tilespmem:$0x18100] =	vst v63  }
0x3c: {  	s10 =	rddreg [dreg:$0x8]  }
0x3d: {  	[tilespmem:s10], [sflag:$0x1] =	stream.indirect_vreg.gather [hbm4b:s5+s2], $0x80, v4, vm0, $0xb8;
	[tilespmem:$0x18100] =	vst v63  }
0x3e: {  	s0 =	rddreg [dreg:$0x9]  }
0x3f: {  	[tilespmem:s0], [sflag:$0x1] =	stream.indirect_vreg.gather [hbm4b:s3+s2], $0x80, v3, vm0, $0xb8;
	[tilespmem:$0x18100] =	vst v63  }
0x40: {  	s10 =	rddreg [dreg:$0xa]  }
0x41: {  	[tilespmem:s10], [sflag:$0x1] =	stream.indirect_vreg.gather [hbm4b:s4+s2], $0x80, v3, vm0, $0xb8;
	[tilespmem:$0x18100] =	vst v63  }
0x42: {  	s0 =	rddreg [dreg:$0xb]  }
0x43: {  	[tilespmem:s0], [sflag:$0x1] =	stream.indirect_vreg.gather [hbm4b:s5+s2], $0x80, v3, vm0, $0xb8;
	[tilespmem:$0x18100] =	vst v63  }
0x44: {  	v3 =	vld [tilespmem:$0x10];
	_ =	sdelay $0x4  }
0x45: {  	v57 =	vshrl.u32 v3, $0x3  }
0x46: {  	v4 =	vmul.u32 $0x30, v57  }
0x47: {  	v3 =	vand.u32 $0x7, v3  }
0x48: {  	v3 =	vor.u32 v3, v4  }
0x49: {  	v4 =	vperm.xlane v3, v0;
	_ =	sdelay $0x1  }
0x4a: {  	v4 =	vadd.s32 v1, v4;
	_ =	sdelay $0x3  }
0x4b: {  	s0 =	rddreg [dreg:$0xc];
	v3 =	vperm.xlane v3, v2  }
0x4c: {  	[tilespmem:s0], [sflag:$0x1] =	stream.indirect_vreg.gather [hbm4b:s3+s2], $0x80, v4, vm0, $0xb8;
	[tilespmem:$0x18100] =	vst v63  }
0x4d: {  	s10 =	rddreg [dreg:$0xd];
	v3 =	vadd.s32 v1, v3  }
0x4e: {  	[tilespmem:s10], [sflag:$0x1] =	stream.indirect_vreg.gather [hbm4b:s4+s2], $0x80, v4, vm0, $0xb8;
	[tilespmem:$0x18100] =	vst v63  }
0x4f: {  	s0 =	rddreg [dreg:$0xe]  }
0x50: {  	[tilespmem:s0], [sflag:$0x1] =	stream.indirect_vreg.gather [hbm4b:s5+s2], $0x80, v4, vm0, $0xb8;
	[tilespmem:$0x18100] =	vst v63  }
0x51: {  	s10 =	rddreg [dreg:$0xf]  }
0x52: {  	[tilespmem:s10], [sflag:$0x1] =	stream.indirect_vreg.gather [hbm4b:s3+s2], $0x80, v3, vm0, $0xb8;
	[tilespmem:$0x18100] =	vst v63  }
0x53: {  	s0 =	rddreg [dreg:$0x10]  }
0x54: {  	[tilespmem:s0], [sflag:$0x1] =	stream.indirect_vreg.gather [hbm4b:s4+s2], $0x80, v3, vm0, $0xb8;
	[tilespmem:$0x18100] =	vst v63  }
0x55: {  	s10 =	rddreg [dreg:$0x11]  }
0x56: {  	[tilespmem:s10], [sflag:$0x1] =	stream.indirect_vreg.gather [hbm4b:s5+s2], $0x80, v3, vm0, $0xb8;
	[tilespmem:$0x18100] =	vst v63  }
0x57: {  	v3 =	vld [tilespmem:$0x20];
	_ =	sdelay $0x4  }
0x58: {  	v58 =	vshrl.u32 v3, $0x3  }
0x59: {  	v4 =	vmul.u32 $0x30, v58  }
0x5a: {  	v3 =	vand.u32 $0x7, v3  }
0x5b: {  	v3 =	vor.u32 v3, v4  }
0x5c: {  	v4 =	vperm.xlane v3, v0;
	_ =	sdelay $0x1  }
0x5d: {  	v4 =	vadd.s32 v1, v4;
	_ =	sdelay $0x3  }
0x5e: {  	s0 =	rddreg [dreg:$0x12];
	v3 =	vperm.xlane v3, v2  }
0x5f: {  	[tilespmem:s0], [sflag:$0x1] =	stream.indirect_vreg.gather [hbm4b:s3+s2], $0x80, v4, vm0, $0xb8;
	[tilespmem:$0x18100] =	vst v63  }
0x60: {  	s10 =	rddreg [dreg:$0x13];
	v3 =	vadd.s32 v1, v3  }
0x61: {  	[tilespmem:s10], [sflag:$0x1] =	stream.indirect_vreg.gather [hbm4b:s4+s2], $0x80, v4, vm0, $0xb8;
	[tilespmem:$0x18100] =	vst v63  }
0x62: {  	s0 =	rddreg [dreg:$0x14]  }
0x63: {  	[tilespmem:s0], [sflag:$0x1] =	stream.indirect_vreg.gather [hbm4b:s5+s2], $0x80, v4, vm0, $0xb8;
	[tilespmem:$0x18100] =	vst v63  }
0x64: {  	s10 =	rddreg [dreg:$0x15]  }
0x65: {  	[tilespmem:s10], [sflag:$0x1] =	stream.indirect_vreg.gather [hbm4b:s3+s2], $0x80, v3, vm0, $0xb8;
	[tilespmem:$0x18100] =	vst v63  }
0x66: {  	s0 =	rddreg [dreg:$0x16]  }
0x67: {  	[tilespmem:s0], [sflag:$0x1] =	stream.indirect_vreg.gather [hbm4b:s4+s2], $0x80, v3, vm0, $0xb8;
	[tilespmem:$0x18100] =	vst v63  }
0x68: {  	s10 =	rddreg [dreg:$0x17]  }
0x69: {  	[tilespmem:s10], [sflag:$0x1] =	stream.indirect_vreg.gather [hbm4b:s5+s2], $0x80, v3, vm0, $0xb8;
	[tilespmem:$0x18100] =	vst v63  }
0x6a: {  	v3 =	vld [tilespmem:$0x30];
	_ =	sdelay $0x4  }
0x6b: {  	v59 =	vshrl.u32 v3, $0x3  }
0x6c: {  	v4 =	vmul.u32 $0x30, v59  }
0x6d: {  	v3 =	vand.u32 $0x7, v3  }
0x6e: {  	v3 =	vor.u32 v3, v4  }
0x6f: {  	v4 =	vperm.xlane v3, v0;
	_ =	sdelay $0x1  }
0x70: {  	v4 =	vadd.s32 v1, v4;
	_ =	sdelay $0x3  }
0x71: {  	s0 =	rddreg [dreg:$0x18];
	v3 =	vperm.xlane v3, v2  }
0x72: {  	[tilespmem:s0], [sflag:$0x1] =	stream.indirect_vreg.gather [hbm4b:s3+s2], $0x80, v4, vm0, $0xb8;
	[tilespmem:$0x18100] =	vst v63  }
0x73: {  	s10 =	rddreg [dreg:$0x19];
	v3 =	vadd.s32 v1, v3  }
0x74: {  	[tilespmem:s10], [sflag:$0x1] =	stream.indirect_vreg.gather [hbm4b:s4+s2], $0x80, v4, vm0, $0xb8;
	[tilespmem:$0x18100] =	vst v63  }
0x75: {  	s0 =	rddreg [dreg:$0x1a]  }
0x76: {  	[tilespmem:s0], [sflag:$0x1] =	stream.indirect_vreg.gather [hbm4b:s5+s2], $0x80, v4, vm0, $0xb8;
	[tilespmem:$0x18100] =	vst v63  }
0x77: {  	s10 =	rddreg [dreg:$0x1b]  }
0x78: {  	[tilespmem:s10], [sflag:$0x1] =	stream.indirect_vreg.gather [hbm4b:s3+s2], $0x80, v3, vm0, $0xb8;
	[tilespmem:$0x18100] =	vst v63  }
0x79: {  	s0 =	rddreg [dreg:$0x1c]  }
0x7a: {  	[tilespmem:s0], [sflag:$0x1] =	stream.indirect_vreg.gather [hbm4b:s4+s2], $0x80, v3, vm0, $0xb8;
	[tilespmem:$0x18100] =	vst v63  }
0x7b: {  	s10 =	rddreg [dreg:$0x1d]  }
0x7c: {  	[tilespmem:s10], [sflag:$0x1] =	stream.indirect_vreg.gather [hbm4b:s5+s2], $0x80, v3, vm0, $0xb8;
	[tilespmem:$0x18100] =	vst v63  }
0x7d: {  	v3 =	vld [tilespmem:$0x80];
	_ =	sdelay $0x4  }
0x7e: {  	v60 =	vshrl.u32 v3, $0x3  }
0x7f: {  	v4 =	vmul.u32 $0x30, v60  }
0x80: {  	v3 =	vand.u32 $0x7, v3  }
0x81: {  	v3 =	vor.u32 v3, v4  }
0x82: {  	v4 =	vperm.xlane v3, v0;
	_ =	sdelay $0x1  }
0x83: {  	v4 =	vadd.s32 v1, v4;
	_ =	sdelay $0x3  }
0x84: {  	v3 =	vperm.xlane v3, v2  }
0x85: {  	[tilespmem:s9], [sflag:$0x1] =	stream.indirect_vreg.gather [hbm4b:s3+s2], $0x80, v4, vm0, $0xb8;
	[tilespmem:$0x18100] =	vst v63  }
0x86: {  	s0 =	rddreg [dreg:$0x1e];
	v3 =	vadd.s32 v1, v3  }
0x87: {  	[tilespmem:s0], [sflag:$0x1] =	stream.indirect_vreg.gather [hbm4b:s4+s2], $0x80, v4, vm0, $0xb8;
	[tilespmem:$0x18100] =	vst v63  }
0x88: {  	s10 =	rddreg [dreg:$0x1f]  }
0x89: {  	[tilespmem:s10], [sflag:$0x1] =	stream.indirect_vreg.gather [hbm4b:s5+s2], $0x80, v4, vm0, $0xb8;
	[tilespmem:$0x18100] =	vst v63  }
0x8a: {  	s10 =	simm.s32 $0xD900  }
0x8b: {  	[tilespmem:s10], [sflag:$0x1] =	stream.indirect_vreg.gather [hbm4b:s3+s2], $0x80, v3, vm0, $0xb8;
	[tilespmem:$0x18100] =	vst v63  }
0x8c: {  	_ = 	snop  }
0x8d: {  	[tilespmem:s11], [sflag:$0x1] =	stream.indirect_vreg.gather [hbm4b:s4+s2], $0x80, v3, vm0, $0xb8;
	[tilespmem:$0x18100] =	vst v63  }
0x8e: {  	_ = 	snop  }
0x8f: {  	[tilespmem:s12], [sflag:$0x1] =	stream.indirect_vreg.gather [hbm4b:s5+s2], $0x80, v3, vm0, $0xb8;
	[tilespmem:$0x18100] =	vst v63  }
0x90: {  	v3 =	vld [tilespmem:$0x90];
	_ =	sdelay $0x4  }
0x91: {  	v61 =	vshrl.u32 v3, $0x3  }
0x92: {  	v4 =	vmul.u32 $0x30, v61  }
0x93: {  	v3 =	vand.u32 $0x7, v3  }
0x94: {  	v3 =	vor.u32 v3, v4  }
0x95: {  	v4 =	vperm.xlane v3, v0;
	_ =	sdelay $0x1  }
0x96: {  	v4 =	vadd.s32 v1, v4;
	_ =	sdelay $0x3  }
0x97: {  	v3 =	vperm.xlane v3, v2  }
0x98: {  	[tilespmem:s13], [sflag:$0x1] =	stream.indirect_vreg.gather [hbm4b:s3+s2], $0x80, v4, vm0, $0xb8;
	[tilespmem:$0x18100] =	vst v63  }
0x99: {  	v3 =	vadd.s32 v1, v3  }
0x9a: {  	[tilespmem:s14], [sflag:$0x1] =	stream.indirect_vreg.gather [hbm4b:s4+s2], $0x80, v4, vm0, $0xb8;
	[tilespmem:$0x18100] =	vst v63  }
0x9b: {  	_ = 	snop  }
0x9c: {  	[tilespmem:s15], [sflag:$0x1] =	stream.indirect_vreg.gather [hbm4b:s5+s2], $0x80, v4, vm0, $0xb8;
	[tilespmem:$0x18100] =	vst v63  }
0x9d: {  	_ = 	snop  }
0x9e: {  	[tilespmem:s16], [sflag:$0x1] =	stream.indirect_vreg.gather [hbm4b:s3+s2], $0x80, v3, vm0, $0xb8;
	[tilespmem:$0x18100] =	vst v63  }
0x9f: {  	_ = 	snop  }
0xa0: {  	[tilespmem:s17], [sflag:$0x1] =	stream.indirect_vreg.gather [hbm4b:s4+s2], $0x80, v3, vm0, $0xb8;
	[tilespmem:$0x18100] =	vst v63  }
0xa1: {  	_ = 	snop  }
0xa2: {  	[tilespmem:s18], [sflag:$0x1] =	stream.indirect_vreg.gather [hbm4b:s5+s2], $0x80, v3, vm0, $0xb8;
	[tilespmem:$0x18100] =	vst v63  }
0xa3: {  	v3 =	vld [tilespmem:$0xA0];
	_ =	sdelay $0x4  }
0xa4: {  	v62 =	vshrl.u32 v3, $0x3  }
0xa5: {  	v4 =	vmul.u32 $0x30, v62  }
0xa6: {  	v3 =	vand.u32 $0x7, v3  }
0xa7: {  	v3 =	vor.u32 v3, v4  }
0xa8: {  	v4 =	vperm.xlane v3, v0;
	_ =	sdelay $0x1  }
0xa9: {  	v4 =	vadd.s32 v1, v4;
	_ =	sdelay $0x3  }
0xaa: {  	v3 =	vperm.xlane v3, v2  }
0xab: {  	[tilespmem:s19], [sflag:$0x1] =	stream.indirect_vreg.gather [hbm4b:s3+s2], $0x80, v4, vm0, $0xb8;
	[tilespmem:$0x18100] =	vst v63  }
0xac: {  	v3 =	vadd.s32 v1, v3  }
0xad: {  	[tilespmem:s20], [sflag:$0x1] =	stream.indirect_vreg.gather [hbm4b:s4+s2], $0x80, v4, vm0, $0xb8;
	[tilespmem:$0x18100] =	vst v63  }
0xae: {  	_ = 	snop  }
0xaf: {  	[tilespmem:s21], [sflag:$0x1] =	stream.indirect_vreg.gather [hbm4b:s5+s2], $0x80, v4, vm0, $0xb8;
	[tilespmem:$0x18100] =	vst v63  }
0xb0: {  	_ = 	snop  }
0xb1: {  	[tilespmem:s22], [sflag:$0x1] =	stream.indirect_vreg.gather [hbm4b:s3+s2], $0x80, v3, vm0, $0xb8;
	[tilespmem:$0x18100] =	vst v63  }
0xb2: {  	_ = 	snop  }
0xb3: {  	[tilespmem:s23], [sflag:$0x1] =	stream.indirect_vreg.gather [hbm4b:s4+s2], $0x80, v3, vm0, $0xb8;
	[tilespmem:$0x18100] =	vst v63  }
0xb4: {  	_ = 	snop  }
0xb5: {  	[tilespmem:s24], [sflag:$0x1] =	stream.indirect_vreg.gather [hbm4b:s5+s2], $0x80, v3, vm0, $0xb8;
	[tilespmem:$0x18100] =	vst v63  }
0xb6: {  	v3 =	vld [tilespmem:$0xB0];
	_ =	sdelay $0x4  }
0xb7: {  	v63 =	vshrl.u32 v3, $0x3  }
0xb8: {  	v4 =	vmul.u32 $0x30, v63  }
0xb9: {  	v3 =	vand.u32 $0x7, v3  }
0xba: {  	v3 =	vor.u32 v3, v4  }
0xbb: {  	v4 =	vperm.xlane v3, v0;
	_ =	sdelay $0x1  }
0xbc: {  	v4 =	vadd.s32 v1, v4;
	_ =	sdelay $0x3  }
0xbd: {  	v3 =	vperm.xlane v3, v2  }
0xbe: {  	[tilespmem:s25], [sflag:$0x1] =	stream.indirect_vreg.gather [hbm4b:s3+s2], $0x80, v4, vm0, $0xb8;
	[tilespmem:$0x18100] =	vst v63  }
0xbf: {  	v3 =	vadd.s32 v1, v3  }
0xc0: {  	[tilespmem:s26], [sflag:$0x1] =	stream.indirect_vreg.gather [hbm4b:s4+s2], $0x80, v4, vm0, $0xb8;
	[tilespmem:$0x18100] =	vst v63  }
0xc1: {  	_ = 	snop  }
0xc2: {  	[tilespmem:s28], [sflag:$0x1] =	stream.indirect_vreg.gather [hbm4b:s5+s2], $0x80, v4, vm0, $0xb8;
	[tilespmem:$0x18100] =	vst v63  }
0xc3: {  	_ = 	snop  }
0xc4: {  	[tilespmem:s29], [sflag:$0x1] =	stream.indirect_vreg.gather [hbm4b:s3+s2], $0x80, v3, vm0, $0xb8;
	[tilespmem:$0x18100] =	vst v63  }
0xc5: {  	_ = 	snop  }
0xc6: {  	[tilespmem:s30], [sflag:$0x1] =	stream.indirect_vreg.gather [hbm4b:s4+s2], $0x80, v3, vm0, $0xb8;
	[tilespmem:$0x18100] =	vst v63  }
0xc7: {  	_ = 	snop  }
0xc8: {  	[tilespmem:s31], [sflag:$0x1] =	stream.indirect_vreg.gather [hbm4b:s5+s2], $0x80, v3, vm0, $0xb8;
	[tilespmem:$0x18100] =	vst v63  }
0xc9: {  	_ =	swait.ge [sflag:s1], $0xC000  }
0xca: {  	[sflag:s1] =	ssyncset.done $0x0  }
0xcb: {  	s10 =	rddreg [dreg:$0x4];
	[sflag:s1] =	ssyncadd.s32 $0xFFFF4000  }
0xcc: {  	[hbm4b:s10+s2] =	stream.linear.scatter [tilespmem:s8], [sflag:$0x2], $0xC000, $0x38;
	[tilespmem:$0x18100] =	vst v63  }
0xcd: {  	_ =	swait.ge [sflag:s7], $0xC000  }
0xce: {  	[sflag:s7] =	ssyncset.done $0x0  }
0xcf: {  	[sflag:s7] =	ssyncadd.s32 $0xFFFF4000  }
0xd0: {  	_ =	swait.ge [sflag:s1], $0xC000  }
0xd1: {  	p0 =	sne.s32 s6, $0x1;
	[sflag:s1] =	ssyncset.done $0x0  }
.Ltmp0:
0xd2: {  	s10 =	rddreg [dreg:$0x5];
	[sflag:s1] =	ssyncadd.s32 $0xFFFF4000;
	(pc) =	sbr.rel @p0 .LBB2_1-.Ltmp0, $4  }
0xd3: {  	[hbm4b:s10+s2] =	stream.linear.scatter [tilespmem:s9], [sflag:$0x2], $0xC000, $0x38;
	[tilespmem:$0x18100] =	vst v63  }
0xd4: {  	_ =	swait.ge [sflag:s7], $0xC000  }
0xd5: {  	[sflag:s7] =	ssyncset.done $0x0  }
0xd6: {  	s6 =	sadd.s32 $0xFFFFFFFF, s6;
	[sflag:s7] =	ssyncadd.s32 $0xFFFF4000  }
0xd7: {  	_ =	sfence.sel $0x180000  }
0xd8: {  	[bflag:$0x0] =	sbarrier.arrive $0xFFFF  }
0xd9: {  	_ =	strace $0x9000004A  }
0xda: {  	s0 =	stileid.u32;
	[bflag:$0x2] =	sbarrier.arrive $0xFFFF  }
0xdb: {  	p0 =	sne.s32 s0, $0x0;
	s0 =	rddreg [dreg:$0x1]  }
0xdc: {  	s0 =	sadd.s32 @!p0 $0x100000, s0  }
0xdd: {  	[sflag:s0] =	ssyncadd.tile.s32 @!p0 $0x1;
	_ =	shalt  }
.Lfunc_end2:
_tile_overlayer_lowered:
.L_overlay_start_2:
0xde: {  	(tag) =	ssettag $0x2  }
0xdf: {  	s0 =	rddreg [dreg:$0x0];
	s2 =	stileid.u32  }
0xe0: {  	s1 =	rddreg [dreg:$0x1];
	p0 =	sne.s32 s2, $0x0  }
0xe1: {  	s3 =	rddreg [dreg:$0x2];
	[bflag:$0x3] =	sbarrier.arrive $0xFFFF;
	s2 =	simm.s32 @!p0 $0x1C02  }
0xe2: {  	[timem:s3], [sflag:s2] =	dma.local @!p0 [hbm:s0], s1  }
0xe3: {  	s0 =	simm.s32 @!p0 $0x2  }
0xe4: {  	_ =	swait.ge @!p0 [sflag:s0], s1  }
0xe5: {  	s1 =	ssub.s32 @!p0 $0x0, s1;
	[sflag:s0] =	ssyncset.done @!p0 $0x0  }
0xe6: {  	[sflag:s0] =	ssyncadd.s32 @!p0 s1  }
0xe7: {  	[bflag:$0x3] =	sbarrier.arrive $0xFFFF  }
0xe8: {  	_ =	shalt  }

// kernel: kernel.7.cloned.1.call-start
scs
__scs_entry_jumppad:
0x0: {  	(pc) =	sbr.rel $0x88, $3  }
0x1: {  	(tag) =	ssettag $0x0;
	lr =	simm.s32 $0x1  }
0x2: {  	[smem:$0x3F99] =	sst lr;
	_ =	strace $0xD0000000  }
0x3: {  	_ = 	snop  }
0x4: {  	_ = 	snop  }
0x5: {  	_ = 	snop  }
0x6: {  	_ = 	snop  }
0x7: {  	_ = 	snop  }
__scs_overlays_trampoline_lowered:
0x8: {  	[smem:$0x3FA8] =	sst s0  }
0x9: {  	[smem:$0x3FA9] =	sst s1  }
0xa: {  	[smem:$0x3FAA] =	sst s2  }
0xb: {  	[smem:$0x3FAB] =	sst s3  }
0xc: {  	[smem:$0x3FAC] =	sst s4  }
0xd: {  	[smem:$0x3FAD] =	sst s5  }
0xe: {  	[smem:$0x3FAE] =	sst s6  }
0xf: {  	[smem:$0x3FAF] =	sst s7  }
0x10: {  	[smem:$0x3FB0] =	sst s8  }
0x11: {  	[smem:$0x3FB1] =	sst s9;
	s0 =	simm.s32 @!p0 $0x0  }
0x12: {  	s1 =	sld [smem:$0x3F97];
	s0 =	simm.s32 @p0 $0x1  }
0x13: {  	[smem:$0x3FB2] =	sst s0;
	s0 =	simm.s32 @!p1 $0x0  }
0x14: {  	s2 =	sld [smem:$0x3F96];
	s0 =	simm.s32 @p1 $0x1  }
0x15: {  	[smem:$0x3FB3] =	sst s0;
	s0 =	simm.s32 @!p2 $0x0  }
0x16: {  	s3 =	sld [smem:$0x3FDB];
	s0 =	simm.s32 @p2 $0x1  }
0x17: {  	s4 =	simm.s32 $0x1BF5;
	[smem:$0x3FB5] =	sst s0  }
0x18: {  	s0 =	sld [smem:$0x3F98];
	_ =	swait.ge [sflag:s4], $0x0  }
0x19: {  	s7 =	sld [smem:$0x3F99]  }
0x1a: {  	s8 =	sadd.s32 $0xFFFFE003, lr  }
0x1b: {  	s9 =	sadd.s32 $0xFFFFFEF7, lr;
	s5 =	simm.s32 $0xFFFFFFFF;
	p2 =	slt.u32 s8, $0xFFFFF086  }
0x1c: {  	p1 =	slt.u32 s9, $0xF7A;
	s5 =	simm.s32 @!p2 $0x0  }
0x1d: {  	s5 =	simm.s32 @p1 $0x1;
	p0 =	seq.s32 s7, s2  }
0x1e: {  	s7 =	smul.u32 @!p0 $0xF7A, s2;
	p2 =	seq.s32 @!p0 s5, $0x0  }
0x1f: {  	s9 =	smul.u32 $0xF7A, s1;
	s8 =	simm.s32 @!p0 $0x1BF5;
	p2 =	por !p2, p0  }
0x20: {  	[sflag:s8] =	ssyncset.s32 @!p0 $0xFFFFF086;
	s6 =	sadd.s32 @!p0 s3, s7;
	s7 =	simm.s32 @!p0 $0x108  }
0x21: {  	s3 =	sadd.s32 s3, s9;
	s6 =	sadd.s32 @!p0 $0x88, s6;
	s7 =	simm.s32 @p2 $0x1082  }
0x22: {  	[simem:s7], [sflag:s8] =	dma.local @!p0 [hbm:s6], $0xF7A  }
0x23: {  	s9 =	sor.u32 $0xD0000000, s2;
	s6 =	simm.s32 $0x108;
	_ =	swait.ge @!p0 [sflag:s8], $0x0  }
0x24: {  	s3 =	sadd.s32 $0x88, s3;
	s6 =	simm.s32 @!p1 $0x1082;
	[sflag:s4] =	ssyncset.s32 $0xFFFFF086  }
0x25: {  	[simem:s6], [sflag:s4] =	dma.local [hbm:s3], $0xF7A  }
0x26: {  	[smem:$0x3F99] =	sst s1;
	(tag) =	ssettag s2;
	_ =	strace s9  }
0x27: {  	s1 =	sld [smem:$0x3FA9]  }
0x28: {  	s2 =	sld [smem:$0x3FAA]  }
0x29: {  	s4 =	sld [smem:$0x3FAC]  }
0x2a: {  	p0 =	seq.s32 s5, $0x0;
	s5 =	sld [smem:$0x3FAD]  }
0x2b: {  	s6 =	sld [smem:$0x3FAE]  }
0x2c: {  	s7 =	sld [smem:$0x3FAF]  }
0x2d: {  	s3 =	simm.s32 $0x108;
	s8 =	sld [smem:$0x3FB0]  }
0x2e: {  	s3 =	simm.s32 @!p0 $0x1082;
	s9 =	sld [smem:$0x3FB1]  }
0x2f: {  	lr =	sadd.s32 s0, s3;
	s0 =	sld [smem:$0x3FA8]  }
0x30: {  	s3 =	sld [smem:$0x3FAB]  }
0x31: {  	[smem:$0x3FB4] =	sst s10  }
0x32: {  	s10 =	sld [smem:$0x3FB2];
	_ =	sdelay $0x3  }
0x33: {  	p0 =	seq.s32 s10, $0x1;
	s10 =	sld [smem:$0x3FB4];
	_ =	sdelay $0x3  }
0x34: {  	[smem:$0x3FB4] =	sst s10  }
0x35: {  	s10 =	sld [smem:$0x3FB3];
	_ =	sdelay $0x3  }
0x36: {  	p1 =	seq.s32 s10, $0x1;
	s10 =	sld [smem:$0x3FB4];
	_ =	sdelay $0x3  }
0x37: {  	[smem:$0x3FB4] =	sst s10  }
0x38: {  	s10 =	sld [smem:$0x3FB5]  }
0x39: {  	_ = 	snop;
	(pc) =	sbr.ind lr, $3  }
0x3a: {  	_ = 	snop  }
0x3b: {  	_ = 	snop  }
0x3c: {  	p2 =	seq.s32 s10, $0x1;
	s10 =	sld [smem:$0x3FB4]  }
0x3d: {  	_ =	shalt  }
0x3e: {  	_ =	shalt  }
0x3f: {  	_ =	shalt  }
0x40: {  	_ =	shalt  }
0x41: {  	_ =	shalt  }
0x42: {  	_ =	shalt  }
0x43: {  	_ =	shalt  }
0x44: {  	_ =	shalt  }
0x45: {  	_ =	shalt  }
0x46: {  	_ =	shalt  }
0x47: {  	_ =	shalt  }
0x48: {  	_ =	shalt  }
0x49: {  	_ =	shalt  }
0x4a: {  	_ =	shalt  }
0x4b: {  	_ =	shalt  }
0x4c: {  	_ =	shalt  }
0x4d: {  	_ =	shalt  }
0x4e: {  	_ =	shalt  }
0x4f: {  	_ =	shalt  }
0x50: {  	_ =	shalt  }
0x51: {  	_ =	shalt  }
0x52: {  	_ =	shalt  }
0x53: {  	_ =	shalt  }
0x54: {  	_ =	shalt  }
0x55: {  	_ =	shalt  }
0x56: {  	_ =	shalt  }
0x57: {  	_ =	shalt  }
0x58: {  	_ =	shalt  }
0x59: {  	_ =	shalt  }
0x5a: {  	_ =	shalt  }
0x5b: {  	_ =	shalt  }
0x5c: {  	_ =	shalt  }
0x5d: {  	_ =	shalt  }
0x5e: {  	_ =	shalt  }
0x5f: {  	_ =	shalt  }
0x60: {  	_ =	shalt  }
0x61: {  	_ =	shalt  }
0x62: {  	_ =	shalt  }
0x63: {  	_ =	shalt  }
0x64: {  	_ =	shalt  }
0x65: {  	_ =	shalt  }
0x66: {  	_ =	shalt  }
0x67: {  	_ =	shalt  }
0x68: {  	_ =	shalt  }
0x69: {  	_ =	shalt  }
0x6a: {  	_ =	shalt  }
0x6b: {  	_ =	shalt  }
0x6c: {  	_ =	shalt  }
0x6d: {  	_ =	shalt  }
0x6e: {  	_ =	shalt  }
0x6f: {  	_ =	shalt  }
0x70: {  	_ =	shalt  }
0x71: {  	_ =	shalt  }
0x72: {  	_ =	shalt  }
0x73: {  	_ =	shalt  }
0x74: {  	_ =	shalt  }
0x75: {  	_ =	shalt  }
0x76: {  	_ =	shalt  }
0x77: {  	_ =	shalt  }
0x78: {  	_ =	shalt  }
0x79: {  	_ =	shalt  }
0x7a: {  	_ =	shalt  }
0x7b: {  	_ =	shalt  }
0x7c: {  	_ =	shalt  }
0x7d: {  	_ =	shalt  }
0x7e: {  	_ =	shalt  }
0x7f: {  	_ =	shalt  }
0x80: {  	_ =	shalt  }
0x81: {  	_ =	shalt  }
0x82: {  	_ =	shalt  }
0x83: {  	_ =	shalt  }
0x84: {  	_ =	shalt  }
0x85: {  	_ =	shalt  }
0x86: {  	_ =	shalt  }
0x87: {  	_ =	shalt  }
.Lfunc_end0:
.L_simem_size_0:
called_computation_lowered:
.L_overlay_start_0:
0x88: {  	s2 =	sld [smem:$0x3FD9]  }
0x89: {  	s3 =	sld [smem:$0x3FFE];
	_ =	sdelay $0x1  }
0x8a: {  	s1 =	srdreg.scid  }
0x8b: {  	s0 =	sand.u32 $0x1, s1  }
0x8c: {  	s14 =	sshll.u32 s0, $0xA;
	s2 =	sadd.s32 s3, s2  }
0x8d: {  	s2 =	sadd.s32 s2, s14  }
0x8e: {  	[smem:$0x3FC0] =	sst s2  }
0x8f: {  	_ = 	snop  }
0x90: {  	s2 =	sld [smem:$0x3FD0];
	_ =	sdelay $0x2  }
0x91: {  	s4 =	simm.s32 $0xA;
	s5 =	simm.s32 $0x10;
	s15 =	sld [smem:$0x3FC9]  }
0x92: {  	[smem:s5], [sflag:s4] =	dma.local [hbm:s2], $0x1  }
0x93: {  	_ =	swait.eq [sflag:s4], $0x1  }
0x94: {  	[sflag:s4] =	ssyncset.done $0x0  }
0x95: {  	[sflag:s4] =	ssyncadd.s32 $0xFFFFFFFF  }
0x96: {  	s16 =	sld [smem:$0x11];
	(tm) =	ssettm $0x1  }
0x97: {  	s17 =	sld [smem:$0x3FFB];
	_ =	sdelay $0x3  }
0x98: {  	_ =	strace s17  }
0x99: {  	s4 =	sld [smem:$0x3FFC];
	_ =	sdelay $0x3  }
0x9a: {  	_ =	strace s4  }
0x9b: {  	s4 =	sld [smem:$0x3FFD];
	_ =	sdelay $0x3  }
0x9c: {  	_ =	strace s4  }
0x9d: {  	_ =	strace $0x8FFFFFFF  }
0x9e: {  	s18 =	sld [smem:$0x3FDB];
	_ =	sdelay $0x1  }
0x9f: {  	s19 =	simm.s32 $_scs_section_size  }
0xa0: {  	s6 =	simm.s32 $_size__tile_overlayer_lowered;
	s7 =	simm.s32 $_tile_overlayer_lowered  }
0xa1: {  	s22 =	simm.s32 $0x1BFF;
	s21 =	sshll.u32 s7, $0x1;
	s4 =	sadd.s32 s19, s18  }
0xa2: {  	s8 =	simm.s32 $0x0;
	s20 =	sshll.u32 s6, $0x1;
	s6 =	sadd.s32 s21, s4  }
0xa3: {  	[timem:s8], [sflag:s22] =	dma.local [hbm:s6], s20  }
0xa4: {  	_ =	swait.ge [sflag:s22], s20  }
0xa5: {  	s5 =	ssub.s32 $0x0, s20;
	[sflag:s22] =	ssyncset.done $0x0  }
0xa6: {  	[sflag:s22] =	ssyncadd.s32 s5;
	_ =	sdelay $0x1  }
0xa7: {  	s23 =	simm.s32 $0x1B8B  }
0xa8: {  	_ =	swait.ge [sflag:s23], $0x1  }
0xa9: {  	[sflag:s23] =	ssyncset.done $0x0  }
0xaa: {  	s25 =	simm.s32 $0x1B8E;
	s24 =	sld [smem:$0x3FFE];
	[sflag:s23] =	ssyncadd.s32 $0xFFFFFFFF  }
0xab: {  	s26 =	simm.s32 $execute0_lowered;
	[smem:$0x3FD2] =	sst s25  }
0xac: {  	s6 =	sshll.u32 s26, $0x1;
	_ =	strace $0x80000046;
	[dreg:$0x1] =	wrdreg $0xFFFFFFFF  }
0xad: {  	s28 =	simm.s32 $_size_execute0_lowered;
	s4 =	sadd.s32 s4, s6;
	[dreg:$0x0] =	wrdreg $0x0  }
0xae: {  	s6 =	sshll.u32 s28, $0x1;
	[dreg:$0x2] =	wrdreg s4  }
0xaf: {  	[dreg:$0x3] =	wrdreg s6  }
0xb0: {  	[dreg:$0x4] =	wrdreg $0xC0  }
0xb1: {  	_ =	task [dreg:s8], $0x5FFFF  }
0xb2: {  	[dreg:$0x1] =	wrdreg $0xFFFFFFFF  }
0xb3: {  	[dreg:$0x0] =	wrdreg $0x60  }
0xb4: {  	[dreg:$0x2] =	wrdreg s15  }
0xb5: {  	[dreg:$0x3] =	wrdreg s16  }
0xb6: {  	[dreg:$0x4] =	wrdreg s24  }
0xb7: {  	[dreg:$0x5] =	wrdreg $0x9  }
0xb8: {  	_ =	task.clear_ibuf [dreg:s8], $0x6FFFF;
	_ =	strace $0x90000046  }
0xb9: {  	s29 =	simm.s32 $0x9;
	_ =	strace $0x80000048  }
0xba: {  	_ =	swait.ge [sflag:s29], $0x1  }
0xbb: {  	[sflag:s29] =	ssyncadd.s32 $0xFFFFFFFF  }
0xbc: {  	_ =	strace $0x90000048  }
0xbd: {  	_ =	sfence  }
0xbe: {  	s30 =	sld [smem:$0x0];
	_ =	sdelay $0x2  }
0xbf: {  	s31 =	sshll.u32 s1, $0xD;
	s1 =	sshrl.u32 s1, $0x2  }
0xc0: {  	s3 =	sand.u32 $0x4000, s31;
	s1 =	sadd.s32 s1, s30  }
0xc1: {  	s0 =	sor.u32 s3, s0;
	s1 =	sshll.u32 s1, $0x11  }
0xc2: {  	s0 =	sor.u32 s1, s0  }
0xc3: {  	s0 =	sadd.s32 $0x8F2B, s0  }
0xc4: {  	[sflag:s0] =	ssyncadd.remote.s32 $0x1  }
0xc5: {  	_ =	sfence.sel $0xFFFF  }
0xc6: {  	[dreg:$0x0] =	wrdreg $0xFFFFFFFF;
	(pc) =	sbr.abs _section_cstart, $3  }
0xc7: {  	[dreg:$0x1] =	wrdreg $0xFFFFFFFF  }
0xc8: {  	_ =	task.clear_ibuf [dreg:s8], $0x2FFFF;
	_ =	strace $0x9FFFFFFF  }
0xc9: {  	(tm) =	ssettm $0x7FFFFFFF  }
tec
execute0_lowered:
.L_overlay_start_1:
0x0: {  	(tag) =	ssettag $0x1  }
0x1: {  	s0 =	rddreg [dreg:$0x0]  }
0x2: {  	s1 =	rddreg [dreg:$0x1];
	s2 =	srdreg.scid  }
0x3: {  	s3 =	stileid.u32;
	s5 =	rddreg [dreg:$0x2]  }
0x4: {  	s26 =	simm.s32 $0x80;
	s11 =	simm.s32 $0x1900;
	s12 =	simm.s32 $0x2100  }
0x5: {  	s13 =	simm.s32 $0x2900;
	s14 =	simm.s32 $0x3100;
	s15 =	simm.s32 $0x3900  }
0x6: {  	s16 =	simm.s32 $0x4100;
	s17 =	simm.s32 $0x4900;
	s18 =	simm.s32 $0x5100  }
0x7: {  	s19 =	simm.s32 $0x5900;
	s20 =	simm.s32 $0x6100;
	s21 =	simm.s32 $0x6900  }
0x8: {  	s22 =	simm.s32 $0x7100;
	s28 =	simm.s32 $0x9900;
	s29 =	simm.s32 $0xA100  }
0x9: {  	s30 =	simm.s32 $0xA900;
	s4 =	sand.u32 $0x1, s2;
	s3 =	sshll.u32 s3, $0x1  }
0xa: {  	s31 =	simm.s32 $0xB100;
	s2 =	simm.s32 $0x0;
	s3 =	sor.u32 s4, s3  }
0xb: {  	[smem:$0x7FF] =	sst s2;
	s4 =	ssub.s32 $0x2, s4;
	s6 =	smul.u32 $0x1800, s3  }
0xc: {  	_ =	strace $0x80000047;
	s7 =	sshll.u32 s3, $0x4;
	s3 =	sadd.s32 $0x1B800, s5  }
0xd: {  	s24 =	sshrl.u32 s4, $0x1;
	[dreg:$0x7] =	wrdreg s26;
	s26 =	simm.s32 $0x9100  }
0xe: {  	s8 =	sadd.s32 s7, s5;
	s23 =	sadd.s32 s1, s7;
	s1 =	ssub.s32 s4, s24  }
0xf: {  	s4 =	sadd.s32 $0x1B900, s5;
	s5 =	sadd.s32 $0x1BA00, s5;
	s7 =	simm.s32 $0x100  }
0x10: {  	s24 =	simm.s32 $0x8100;
	s0 =	sadd.s32 s0, s6;
	[dreg:$0x5] =	wrdreg s23  }
0x11: {  	v2 =	vlaneseq.u32;
	s25 =	sadd.s32 $0x800, s8;
	s6 =	smax.u32 s1, $0x1;
	s8 =	simm.s32 $0x2  }
0x12: {  	vm0 =	vmmov $0xffff;
	v1 =	vshrl.u32 v2, $0x3;
	s23 =	simm.s32 $0x7900;
	s1 =	simm.s32 $0xB900;
	[dreg:$0x4] =	wrdreg s0  }
0x13: {  	v0 =	vand.u32 $0x7, v2;
	v2 =	vor.u32 $0x8, v2;
	v1 =	vmul.u32 $0x8, v1;
	[dreg:$0x6] =	wrdreg s25;
	s25 =	simm.s32 $0x8900;
	s0 =	simm.s32 $0x1  }
.LBB2_1:
0x14: {  	s9 =	rddreg [dreg:$0x4]  }
0x15: {  	[tilespmem:s7], [sflag:$0x2] =	stream.linear.gather [hbm4b:s9+s2], $0xC000, $0x38;
	[tilespmem:$0xC100] =	vst v63  }
0x16: {  	_ =	swait.ge [sflag:s8], $0xC000  }
0x17: {  	[sflag:s8] =	ssyncset.done $0x0  }
0x18: {  	s10 =	rddreg [dreg:$0x5];
	[sflag:s8] =	ssyncadd.s32 $0xFFFF4000  }
0x19: {  	[tilespmem:s2], [sflag:$0x2] =	stream.linear.gather [hbm4b:s10+s2], $0x80, $0x38;
	[tilespmem:$0xC100] =	vst v63  }
0x1a: {  	_ =	swait.ge [sflag:s8], $0x80  }
0x1b: {  	s9 =	rddreg [dreg:$0x6];
	[sflag:s8] =	ssyncset.done $0x0  }
0x1c: {  	s10 =	rddreg [dreg:$0x7];
	[sflag:s8] =	ssyncadd.s32 $0xFFFFFF80  }
0x1d: {  	[tilespmem:s10], [sflag:$0x2] =	stream.linear.gather [hbm4b:s9+s2], $0x80, $0x38;
	[tilespmem:$0xC100] =	vst v63  }
0x1e: {  	_ =	swait.ge [sflag:s8], $0x80  }
0x1f: {  	[sflag:s8] =	ssyncset.done $0x0  }
0x20: {  	[sflag:s8] =	ssyncadd.s32 $0xFFFFFF80  }
0x21: {  	v3 =	vld [tilespmem:$0x0];
	_ =	sdelay $0x4  }
0x22: {  	v4 =	vshrl.u32 v3, $0x3  }
0x23: {  	v4 =	vmul.u32 $0x30, v4  }
0x24: {  	v3 =	vand.u32 $0x7, v3  }
0x25: {  	v3 =	vor.u32 v3, v4  }
0x26: {  	v4 =	vperm.xlane v3, v0;
	_ =	sdelay $0x1  }
0x27: {  	v4 =	vadd.s32 v1, v4;
	_ =	sdelay $0x3  }
0x28: {  	v3 =	vperm.xlane v3, v2  }
0x29: {  	[hbm4b:s3+s2] =	stream.indirect_vreg.scatter [tilespmem:s7], [sflag:$0x1], $0x80, v4, vm0, $0xb8;
	[tilespmem:$0xC100] =	vst v63  }
0x2a: {  	s9 =	simm.s32 $0x900;
	v3 =	vadd.s32 v1, v3  }
0x2b: {  	[hbm4b:s4+s2] =	stream.indirect_vreg.scatter [tilespmem:s9], [sflag:$0x1], $0x80, v4, vm0, $0xb8;
	[tilespmem:$0xC100] =	vst v63  }
0x2c: {  	s10 =	simm.s32 $0x1100  }
0x2d: {  	[hbm4b:s5+s2] =	stream.indirect_vreg.scatter [tilespmem:s10], [sflag:$0x1], $0x80, v4, vm0, $0xb8;
	[tilespmem:$0xC100] =	vst v63  }
0x2e: {  	_ = 	snop  }
0x2f: {  	[hbm4b:s3+s2] =	stream.indirect_vreg.scatter [tilespmem:s11], [sflag:$0x1], $0x80, v3, vm0, $0xb8;
	[tilespmem:$0xC100] =	vst v63  }
0x30: {  	_ = 	snop  }
0x31: {  	[hbm4b:s4+s2] =	stream.indirect_vreg.scatter [tilespmem:s12], [sflag:$0x1], $0x80, v3, vm0, $0xb8;
	[tilespmem:$0xC100] =	vst v63  }
0x32: {  	_ = 	snop  }
0x33: {  	[hbm4b:s5+s2] =	stream.indirect_vreg.scatter [tilespmem:s13], [sflag:$0x1], $0x80, v3, vm0, $0xb8;
	[tilespmem:$0xC100] =	vst v63  }
0x34: {  	v3 =	vld [tilespmem:$0x10];
	_ =	sdelay $0x4  }
0x35: {  	v57 =	vshrl.u32 v3, $0x3  }
0x36: {  	v4 =	vmul.u32 $0x30, v57  }
0x37: {  	v3 =	vand.u32 $0x7, v3  }
0x38: {  	v3 =	vor.u32 v3, v4  }
0x39: {  	v4 =	vperm.xlane v3, v0;
	_ =	sdelay $0x1  }
0x3a: {  	v4 =	vadd.s32 v1, v4;
	_ =	sdelay $0x3  }
0x3b: {  	v3 =	vperm.xlane v3, v2  }
0x3c: {  	[hbm4b:s3+s2] =	stream.indirect_vreg.scatter [tilespmem:s14], [sflag:$0x1], $0x80, v4, vm0, $0xb8;
	[tilespmem:$0xC100] =	vst v63  }
0x3d: {  	v3 =	vadd.s32 v1, v3  }
0x3e: {  	[hbm4b:s4+s2] =	stream.indirect_vreg.scatter [tilespmem:s15], [sflag:$0x1], $0x80, v4, vm0, $0xb8;
	[tilespmem:$0xC100] =	vst v63  }
0x3f: {  	_ = 	snop  }
0x40: {  	[hbm4b:s5+s2] =	stream.indirect_vreg.scatter [tilespmem:s16], [sflag:$0x1], $0x80, v4, vm0, $0xb8;
	[tilespmem:$0xC100] =	vst v63  }
0x41: {  	_ = 	snop  }
0x42: {  	[hbm4b:s3+s2] =	stream.indirect_vreg.scatter [tilespmem:s17], [sflag:$0x1], $0x80, v3, vm0, $0xb8;
	[tilespmem:$0xC100] =	vst v63  }
0x43: {  	_ = 	snop  }
0x44: {  	[hbm4b:s4+s2] =	stream.indirect_vreg.scatter [tilespmem:s18], [sflag:$0x1], $0x80, v3, vm0, $0xb8;
	[tilespmem:$0xC100] =	vst v63  }
0x45: {  	_ = 	snop  }
0x46: {  	[hbm4b:s5+s2] =	stream.indirect_vreg.scatter [tilespmem:s19], [sflag:$0x1], $0x80, v3, vm0, $0xb8;
	[tilespmem:$0xC100] =	vst v63  }
0x47: {  	v3 =	vld [tilespmem:$0x20];
	_ =	sdelay $0x4  }
0x48: {  	v58 =	vshrl.u32 v3, $0x3  }
0x49: {  	v4 =	vmul.u32 $0x30, v58  }
0x4a: {  	v3 =	vand.u32 $0x7, v3  }
0x4b: {  	v3 =	vor.u32 v3, v4  }
0x4c: {  	v4 =	vperm.xlane v3, v0;
	_ =	sdelay $0x1  }
0x4d: {  	v4 =	vadd.s32 v1, v4;
	_ =	sdelay $0x3  }
0x4e: {  	v3 =	vperm.xlane v3, v2  }
0x4f: {  	[hbm4b:s3+s2] =	stream.indirect_vreg.scatter [tilespmem:s20], [sflag:$0x1], $0x80, v4, vm0, $0xb8;
	[tilespmem:$0xC100] =	vst v63  }
0x50: {  	v3 =	vadd.s32 v1, v3  }
0x51: {  	[hbm4b:s4+s2] =	stream.indirect_vreg.scatter [tilespmem:s21], [sflag:$0x1], $0x80, v4, vm0, $0xb8;
	[tilespmem:$0xC100] =	vst v63  }
0x52: {  	_ = 	snop  }
0x53: {  	[hbm4b:s5+s2] =	stream.indirect_vreg.scatter [tilespmem:s22], [sflag:$0x1], $0x80, v4, vm0, $0xb8;
	[tilespmem:$0xC100] =	vst v63  }
0x54: {  	_ = 	snop  }
0x55: {  	[hbm4b:s3+s2] =	stream.indirect_vreg.scatter [tilespmem:s23], [sflag:$0x1], $0x80, v3, vm0, $0xb8;
	[tilespmem:$0xC100] =	vst v63  }
0x56: {  	_ = 	snop  }
0x57: {  	[hbm4b:s4+s2] =	stream.indirect_vreg.scatter [tilespmem:s24], [sflag:$0x1], $0x80, v3, vm0, $0xb8;
	[tilespmem:$0xC100] =	vst v63  }
0x58: {  	_ = 	snop  }
0x59: {  	[hbm4b:s5+s2] =	stream.indirect_vreg.scatter [tilespmem:s25], [sflag:$0x1], $0x80, v3, vm0, $0xb8;
	[tilespmem:$0xC100] =	vst v63  }
0x5a: {  	v3 =	vld [tilespmem:$0x30];
	_ =	sdelay $0x4  }
0x5b: {  	v59 =	vshrl.u32 v3, $0x3  }
0x5c: {  	v4 =	vmul.u32 $0x30, v59  }
0x5d: {  	v3 =	vand.u32 $0x7, v3  }
0x5e: {  	v3 =	vor.u32 v3, v4  }
0x5f: {  	v4 =	vperm.xlane v3, v0;
	_ =	sdelay $0x1  }
0x60: {  	v4 =	vadd.s32 v1, v4;
	_ =	sdelay $0x3  }
0x61: {  	v3 =	vperm.xlane v3, v2  }
0x62: {  	[hbm4b:s3+s2] =	stream.indirect_vreg.scatter [tilespmem:s26], [sflag:$0x1], $0x80, v4, vm0, $0xb8;
	[tilespmem:$0xC100] =	vst v63  }
0x63: {  	v3 =	vadd.s32 v1, v3  }
0x64: {  	[hbm4b:s4+s2] =	stream.indirect_vreg.scatter [tilespmem:s28], [sflag:$0x1], $0x80, v4, vm0, $0xb8;
	[tilespmem:$0xC100] =	vst v63  }
0x65: {  	_ = 	snop  }
0x66: {  	[hbm4b:s5+s2] =	stream.indirect_vreg.scatter [tilespmem:s29], [sflag:$0x1], $0x80, v4, vm0, $0xb8;
	[tilespmem:$0xC100] =	vst v63  }
0x67: {  	_ = 	snop  }
0x68: {  	[hbm4b:s3+s2] =	stream.indirect_vreg.scatter [tilespmem:s30], [sflag:$0x1], $0x80, v3, vm0, $0xb8;
	[tilespmem:$0xC100] =	vst v63  }
0x69: {  	_ = 	snop  }
0x6a: {  	[hbm4b:s4+s2] =	stream.indirect_vreg.scatter [tilespmem:s31], [sflag:$0x1], $0x80, v3, vm0, $0xb8;
	[tilespmem:$0xC100] =	vst v63  }
0x6b: {  	_ = 	snop  }
0x6c: {  	[hbm4b:s5+s2] =	stream.indirect_vreg.scatter [tilespmem:s1], [sflag:$0x1], $0x80, v3, vm0, $0xb8;
	[tilespmem:$0xC100] =	vst v63  }
0x6d: {  	v3 =	vld [tilespmem:$0x80];
	_ =	sdelay $0x4  }
0x6e: {  	v60 =	vshrl.u32 v3, $0x3  }
0x6f: {  	v4 =	vmul.u32 $0x30, v60  }
0x70: {  	v3 =	vand.u32 $0x7, v3  }
0x71: {  	v3 =	vor.u32 v3, v4  }
0x72: {  	v4 =	vperm.xlane v3, v0;
	_ =	sdelay $0x1  }
0x73: {  	v4 =	vadd.s32 v1, v4;
	_ =	sdelay $0x3  }
0x74: {  	v3 =	vperm.xlane v3, v2  }
0x75: {  	[hbm4b:s3+s2] =	stream.indirect_vreg.scatter [tilespmem:s7], [sflag:$0x1], $0x80, v4, vm0, $0xb8;
	[tilespmem:$0xC100] =	vst v63  }
0x76: {  	v3 =	vadd.s32 v1, v3  }
0x77: {  	[hbm4b:s4+s2] =	stream.indirect_vreg.scatter [tilespmem:s9], [sflag:$0x1], $0x80, v4, vm0, $0xb8;
	[tilespmem:$0xC100] =	vst v63  }
0x78: {  	_ = 	snop  }
0x79: {  	[hbm4b:s5+s2] =	stream.indirect_vreg.scatter [tilespmem:s10], [sflag:$0x1], $0x80, v4, vm0, $0xb8;
	[tilespmem:$0xC100] =	vst v63  }
0x7a: {  	_ = 	snop  }
0x7b: {  	[hbm4b:s3+s2] =	stream.indirect_vreg.scatter [tilespmem:s11], [sflag:$0x1], $0x80, v3, vm0, $0xb8;
	[tilespmem:$0xC100] =	vst v63  }
0x7c: {  	_ = 	snop  }
0x7d: {  	[hbm4b:s4+s2] =	stream.indirect_vreg.scatter [tilespmem:s12], [sflag:$0x1], $0x80, v3, vm0, $0xb8;
	[tilespmem:$0xC100] =	vst v63  }
0x7e: {  	_ = 	snop  }
0x7f: {  	[hbm4b:s5+s2] =	stream.indirect_vreg.scatter [tilespmem:s13], [sflag:$0x1], $0x80, v3, vm0, $0xb8;
	[tilespmem:$0xC100] =	vst v63  }
0x80: {  	v3 =	vld [tilespmem:$0x90];
	_ =	sdelay $0x4  }
0x81: {  	v61 =	vshrl.u32 v3, $0x3  }
0x82: {  	v4 =	vmul.u32 $0x30, v61  }
0x83: {  	v3 =	vand.u32 $0x7, v3  }
0x84: {  	v3 =	vor.u32 v3, v4  }
0x85: {  	v4 =	vperm.xlane v3, v0;
	_ =	sdelay $0x1  }
0x86: {  	v4 =	vadd.s32 v1, v4;
	_ =	sdelay $0x3  }
0x87: {  	v3 =	vperm.xlane v3, v2  }
0x88: {  	[hbm4b:s3+s2] =	stream.indirect_vreg.scatter [tilespmem:s14], [sflag:$0x1], $0x80, v4, vm0, $0xb8;
	[tilespmem:$0xC100] =	vst v63  }
0x89: {  	v3 =	vadd.s32 v1, v3  }
0x8a: {  	[hbm4b:s4+s2] =	stream.indirect_vreg.scatter [tilespmem:s15], [sflag:$0x1], $0x80, v4, vm0, $0xb8;
	[tilespmem:$0xC100] =	vst v63  }
0x8b: {  	_ = 	snop  }
0x8c: {  	[hbm4b:s5+s2] =	stream.indirect_vreg.scatter [tilespmem:s16], [sflag:$0x1], $0x80, v4, vm0, $0xb8;
	[tilespmem:$0xC100] =	vst v63  }
0x8d: {  	_ = 	snop  }
0x8e: {  	[hbm4b:s3+s2] =	stream.indirect_vreg.scatter [tilespmem:s17], [sflag:$0x1], $0x80, v3, vm0, $0xb8;
	[tilespmem:$0xC100] =	vst v63  }
0x8f: {  	_ = 	snop  }
0x90: {  	[hbm4b:s4+s2] =	stream.indirect_vreg.scatter [tilespmem:s18], [sflag:$0x1], $0x80, v3, vm0, $0xb8;
	[tilespmem:$0xC100] =	vst v63  }
0x91: {  	_ = 	snop  }
0x92: {  	[hbm4b:s5+s2] =	stream.indirect_vreg.scatter [tilespmem:s19], [sflag:$0x1], $0x80, v3, vm0, $0xb8;
	[tilespmem:$0xC100] =	vst v63  }
0x93: {  	v3 =	vld [tilespmem:$0xA0];
	_ =	sdelay $0x4  }
0x94: {  	v62 =	vshrl.u32 v3, $0x3  }
0x95: {  	v4 =	vmul.u32 $0x30, v62  }
0x96: {  	v3 =	vand.u32 $0x7, v3  }
0x97: {  	v3 =	vor.u32 v3, v4  }
0x98: {  	v4 =	vperm.xlane v3, v0;
	_ =	sdelay $0x1  }
0x99: {  	v4 =	vadd.s32 v1, v4;
	_ =	sdelay $0x3  }
0x9a: {  	v3 =	vperm.xlane v3, v2  }
0x9b: {  	[hbm4b:s3+s2] =	stream.indirect_vreg.scatter [tilespmem:s20], [sflag:$0x1], $0x80, v4, vm0, $0xb8;
	[tilespmem:$0xC100] =	vst v63  }
0x9c: {  	v3 =	vadd.s32 v1, v3  }
0x9d: {  	[hbm4b:s4+s2] =	stream.indirect_vreg.scatter [tilespmem:s21], [sflag:$0x1], $0x80, v4, vm0, $0xb8;
	[tilespmem:$0xC100] =	vst v63  }
0x9e: {  	_ = 	snop  }
0x9f: {  	[hbm4b:s5+s2] =	stream.indirect_vreg.scatter [tilespmem:s22], [sflag:$0x1], $0x80, v4, vm0, $0xb8;
	[tilespmem:$0xC100] =	vst v63  }
0xa0: {  	_ = 	snop  }
0xa1: {  	[hbm4b:s3+s2] =	stream.indirect_vreg.scatter [tilespmem:s23], [sflag:$0x1], $0x80, v3, vm0, $0xb8;
	[tilespmem:$0xC100] =	vst v63  }
0xa2: {  	_ = 	snop  }
0xa3: {  	[hbm4b:s4+s2] =	stream.indirect_vreg.scatter [tilespmem:s24], [sflag:$0x1], $0x80, v3, vm0, $0xb8;
	[tilespmem:$0xC100] =	vst v63  }
0xa4: {  	_ = 	snop  }
0xa5: {  	[hbm4b:s5+s2] =	stream.indirect_vreg.scatter [tilespmem:s25], [sflag:$0x1], $0x80, v3, vm0, $0xb8;
	[tilespmem:$0xC100] =	vst v63  }
0xa6: {  	v3 =	vld [tilespmem:$0xB0];
	_ =	sdelay $0x4  }
0xa7: {  	v63 =	vshrl.u32 v3, $0x3  }
0xa8: {  	v4 =	vmul.u32 $0x30, v63  }
0xa9: {  	v3 =	vand.u32 $0x7, v3  }
0xaa: {  	v3 =	vor.u32 v3, v4  }
0xab: {  	v4 =	vperm.xlane v3, v0;
	_ =	sdelay $0x1  }
0xac: {  	v4 =	vadd.s32 v1, v4;
	_ =	sdelay $0x3  }
0xad: {  	v3 =	vperm.xlane v3, v2  }
0xae: {  	[hbm4b:s3+s2] =	stream.indirect_vreg.scatter [tilespmem:s26], [sflag:$0x1], $0x80, v4, vm0, $0xb8;
	[tilespmem:$0xC100] =	vst v63  }
0xaf: {  	v3 =	vadd.s32 v1, v3  }
0xb0: {  	[hbm4b:s4+s2] =	stream.indirect_vreg.scatter [tilespmem:s28], [sflag:$0x1], $0x80, v4, vm0, $0xb8;
	[tilespmem:$0xC100] =	vst v63  }
0xb1: {  	_ = 	snop  }
0xb2: {  	[hbm4b:s5+s2] =	stream.indirect_vreg.scatter [tilespmem:s29], [sflag:$0x1], $0x80, v4, vm0, $0xb8;
	[tilespmem:$0xC100] =	vst v63  }
0xb3: {  	_ = 	snop  }
0xb4: {  	[hbm4b:s3+s2] =	stream.indirect_vreg.scatter [tilespmem:s30], [sflag:$0x1], $0x80, v3, vm0, $0xb8;
	[tilespmem:$0xC100] =	vst v63  }
0xb5: {  	_ = 	snop  }
0xb6: {  	[hbm4b:s4+s2] =	stream.indirect_vreg.scatter [tilespmem:s31], [sflag:$0x1], $0x80, v3, vm0, $0xb8;
	[tilespmem:$0xC100] =	vst v63  }
0xb7: {  	_ = 	snop  }
0xb8: {  	[hbm4b:s5+s2] =	stream.indirect_vreg.scatter [tilespmem:s1], [sflag:$0x1], $0x80, v3, vm0, $0xb8;
	[tilespmem:$0xC100] =	vst v63  }
0xb9: {  	p0 =	sne.s32 s6, $0x1;
	_ =	swait.ge [sflag:s0], $0xC000  }
.Ltmp0:
0xba: {  	[sflag:s0] =	ssyncset.done $0x0;
	(pc) =	sbr.rel @p0 .LBB2_1-.Ltmp0, $4  }
0xbb: {  	[sflag:s0] =	ssyncadd.s32 $0xFFFF4000  }
0xbc: {  	_ =	swait.ge [sflag:s0], $0xC000  }
0xbd: {  	[sflag:s0] =	ssyncset.done $0x0  }
0xbe: {  	s6 =	sadd.s32 $0xFFFFFFFF, s6;
	[sflag:s0] =	ssyncadd.s32 $0xFFFF4000  }
0xbf: {  	_ =	sfence.sel $0x180000  }
0xc0: {  	[bflag:$0x0] =	sbarrier.arrive $0xFFFF  }
0xc1: {  	_ =	strace $0x90000047  }
0xc2: {  	s0 =	stileid.u32;
	[bflag:$0x2] =	sbarrier.arrive $0xFFFF  }
0xc3: {  	p0 =	sne.s32 s0, $0x0;
	s0 =	rddreg [dreg:$0x3]  }
0xc4: {  	s0 =	sadd.s32 @!p0 $0x100000, s0  }
0xc5: {  	[sflag:s0] =	ssyncadd.tile.s32 @!p0 $0x1;
	_ =	shalt  }
.Lfunc_end2:
_tile_overlayer_lowered:
.L_overlay_start_2:
0xc6: {  	(tag) =	ssettag $0x2  }
0xc7: {  	s0 =	rddreg [dreg:$0x0];
	s2 =	stileid.u32  }
0xc8: {  	s1 =	rddreg [dreg:$0x1];
	p0 =	sne.s32 s2, $0x0  }
0xc9: {  	s3 =	rddreg [dreg:$0x2];
	[bflag:$0x3] =	sbarrier.arrive $0xFFFF;
	s2 =	simm.s32 @!p0 $0x1C02  }
0xca: {  	[timem:s3], [sflag:s2] =	dma.local @!p0 [hbm:s0], s1  }
0xcb: {  	s0 =	simm.s32 @!p0 $0x2  }
0xcc: {  	_ =	swait.ge @!p0 [sflag:s0], s1  }
0xcd: {  	s1 =	ssub.s32 @!p0 $0x0, s1;
	[sflag:s0] =	ssyncset.done @!p0 $0x0  }
0xce: {  	[sflag:s0] =	ssyncadd.s32 @!p0 s1  }
0xcf: {  	[bflag:$0x3] =	sbarrier.arrive $0xFFFF  }
0xd0: {  	_ =	shalt  }

</sc_bundles>
